<compile_context>
chip_gen: v7x
topology: tpu7x:2x2x1
jax: 0.10.2.dev20260603
libtpu: 0.0.44.dev20260713+nightly
codegen_flags: <defaults>
</compile_context>

<pallas_src>
import functools

import jax
import jax.numpy as jnp
from jax.experimental import pallas as pl
from jax.experimental.pallas import tpu as pltpu
from jax.experimental.pallas import tpu_sc as plsc

NUM_PID = 15080
DIM = 2048
B = 256
CHUNK = 1024
SCALAR = 10.0

_NC, _NS = 2, 16
_NW = _NC * _NS
_BPW = B // _NW


_LANES = 16


@functools.lru_cache(maxsize=1)
def _make_sc_gather():
    @functools.partial(
        pl.kernel,
        mesh=plsc.VectorSubcoreMesh(core_axis_name="c", subcore_axis_name="s",
                                    num_cores=_NC, num_subcores=_NS),
        out_type=(
            jax.ShapeDtypeStruct((B, _LANES), jnp.float32),
            jax.ShapeDtypeStruct((B, _LANES), jnp.float32),
        ),
        scratch_types=[
            pltpu.VMEM((_BPW,), jnp.int32),
            pltpu.VMEM((_BPW, DIM), jnp.float32),
            pltpu.VMEM((_BPW, DIM), jnp.float32),
            pltpu.VMEM((_BPW, DIM), jnp.float32),
            pltpu.VMEM((_BPW, DIM), jnp.float32),
            pltpu.VMEM((_BPW, _LANES), jnp.float32),
            pltpu.SemaphoreType.DMA,
            pltpu.SemaphoreType.DMA,
        ],
    )
    def _sc_gather(idx_hbm, feat_hbm, feat1_hbm, lut_hbm, lut1_hbm,
                   out_hbm, out1_hbm, idx_v, rows_v, rows1_v, feat_v, feat1_v,
                   acc_v, sem, sem1):
        wid = jax.lax.axis_index("s") * _NC + jax.lax.axis_index("c")
        base = wid * _BPW
        pltpu.sync_copy(idx_hbm.at[pl.ds(base, _BPW)], idx_v)
        c0 = pltpu.async_copy(lut_hbm.at[idx_v], rows_v, sem)
        c1 = pltpu.async_copy(lut1_hbm.at[idx_v], rows1_v, sem1)
        pltpu.sync_copy(feat_hbm.at[pl.ds(base, _BPW)], feat_v)
        pltpu.sync_copy(feat1_hbm.at[pl.ds(base, _BPW)], feat1_v)

        UNROLL = 4

        def row_dots(r_v, f_v, o_hbm):
            def body(c, accs):
                for u in range(UNROLL):
                    off = (c * UNROLL + u) * _LANES
                    accs = tuple(
                        accs[r] + r_v[r, pl.ds(off, _LANES)]
                        * f_v[r, pl.ds(off, _LANES)]
                        for r in range(_BPW)
                    )
                return accs

            zeros = tuple(
                jnp.zeros((_LANES,), jnp.float32) for _ in range(_BPW))
            accs = jax.lax.fori_loop(0, DIM // (_LANES * UNROLL), body, zeros)
            for r in range(_BPW):
                acc_v[r, :] = accs[r]
            pltpu.sync_copy(acc_v, o_hbm.at[pl.ds(base, _BPW)])

        c0.wait()
        row_dots(rows_v, feat_v, out_hbm)
        c1.wait()
        row_dots(rows1_v, feat1_v, out1_hbm)

    return _sc_gather


def _bf16_matmul_t(a, b):
    return jax.lax.dot_general(
        a.astype(jnp.bfloat16), b.astype(jnp.bfloat16),
        (((1,), (1,)), ((), ())),
        preferred_element_type=jnp.float32,
    )


def _stream_body(f_ref, f1_ref, lut_ref, lut1_ref, acc_ref, acc1_ref, extras_ref):
    i = pl.program_id(0)
    f = f_ref[...]
    f1 = f1_ref[...]
    z = _bf16_matmul_t(f, lut_ref[...])
    z1 = _bf16_matmul_t(f1, lut1_ref[...])
    if NUM_PID % CHUNK:
        col = jax.lax.broadcasted_iota(jnp.int32, (1, CHUNK), 1) + i * CHUNK
        valid = col < NUM_PID
        z = jnp.where(valid, z * SCALAR, -1e30)
        z1 = jnp.where(valid, z1 * SCALAR, -1e30)
    else:
        z = z * SCALAR
        z1 = z1 * SCALAR
    ps = jnp.sum(jnp.exp(z), axis=1, keepdims=True)
    ps1 = jnp.sum(jnp.exp(z1), axis=1, keepdims=True)

    @pl.when(i == 0)
    def _init():
        acc_ref[...] = ps
        acc1_ref[...] = ps1
        sim = _bf16_matmul_t(f, f)
        sim1 = _bf16_matmul_t(f1, f1)
        lse = jnp.log(jnp.sum(jnp.exp(sim), axis=1, keepdims=True))
        lse1 = jnp.log(jnp.sum(jnp.exp(sim1), axis=1, keepdims=True))
        log_p = sim - lse
        log_q = sim1 - lse1
        p = jnp.exp(log_p)
        q = jnp.exp(log_q)
        kl = jnp.sum(q * (log_q - log_p)) + jnp.sum(p * (log_p - log_q))
        cos = 1.0 - jnp.sum(f * f1) / B
        extras_ref[...] = jnp.broadcast_to(kl + cos, (1, 1))

    @pl.when(i > 0)
    def _acc():
        acc_ref[...] += ps
        acc1_ref[...] += ps1


def _stream_call(features, features1, lut, lut1):
    n_steps = (NUM_PID + CHUNK - 1) // CHUNK
    return pl.pallas_call(
        _stream_body,
        grid=(n_steps,),
        in_specs=[
            pl.BlockSpec((B, DIM), lambda i: (0, 0)),
            pl.BlockSpec((B, DIM), lambda i: (0, 0)),
            pl.BlockSpec((CHUNK, DIM), lambda i: (i, 0)),
            pl.BlockSpec((CHUNK, DIM), lambda i: (i, 0)),
        ],
        out_specs=[
            pl.BlockSpec((B, 1), lambda i: (0, 0)),
            pl.BlockSpec((B, 1), lambda i: (0, 0)),
            pl.BlockSpec((1, 1), lambda i: (0, 0)),
        ],
        out_shape=[
            jax.ShapeDtypeStruct((B, 1), jnp.float32),
            jax.ShapeDtypeStruct((B, 1), jnp.float32),
            jax.ShapeDtypeStruct((1, 1), jnp.float32),
        ],
        compiler_params=pltpu.CompilerParams(
            vmem_limit_bytes=100 * 1024 * 1024),
    )(features, features1, lut, lut1)


def _combine_body(g_ref, g1_ref, acc_ref, acc1_ref,
                  extras_ref, pids_ref, out_ref):
    ll = jnp.sum(g_ref[...], axis=1, keepdims=True)
    ll1 = jnp.sum(g1_ref[...], axis=1, keepdims=True)
    logz = jnp.log(acc_ref[...])
    logz1 = jnp.log(acc1_ref[...])
    maskf = (pids_ref[...] > -1).astype(jnp.float32)
    wsum = jnp.sum(maskf)
    loss = jnp.sum((logz - SCALAR * ll) * maskf) / wsum
    loss1 = jnp.sum((logz1 - SCALAR * ll1) * maskf) / wsum
    out_ref[...] = (loss + loss1) * 0.5 + extras_ref[...]


def _combine_call(g, g1, acc, acc1, extras, pids):
    return pl.pallas_call(
        _combine_body,
        out_shape=jax.ShapeDtypeStruct((1, 1), jnp.float32),
    )(g, g1, acc, acc1, extras, pids)


def kernel(features1, features, gt_labels, lut, lut1):
    pids = gt_labels[:, :, -1].reshape(-1).astype(jnp.int32)
    g, g1 = _make_sc_gather()(pids, features, features1, lut, lut1)
    acc, acc1, extras = _stream_call(features, features1, lut, lut1)
    out = _combine_call(g, g1, acc, acc1, extras, pids.reshape(B, 1))
    return out[0, 0]

# --- scband reference (transcript-rebuilt; emitter-appended) ---
"""Pipeline reference for scband-oimloss-computation-un-35184372089413 (READ-ONLY COPY).

The authoritative reference and input builder live on the scoring server;
editing this copy changes nothing except your own understanding.
"""

import jax, jax.numpy as jnp
import numpy as np

NUM_PID = 15080
DIM = 2048
B = 256


def setup_inputs(seed: int = 0) -> dict:
    key = jax.random.key(seed)
    k1, k2, k3, k4, k5 = jax.random.split(key, 5)
    features = jax.random.normal(k1, (B, DIM), dtype=jnp.float32)
    features = features / jnp.linalg.norm(features, axis=1, keepdims=True)
    features1 = jax.random.normal(k2, (B, DIM), dtype=jnp.float32)
    features1 = features1 / jnp.linalg.norm(features1, axis=1, keepdims=True)
    gt_labels = jax.random.randint(k3, (1, B, 5), 0, NUM_PID).astype(jnp.int32)
    lut = jax.random.normal(k4, (NUM_PID, DIM), dtype=jnp.float32)
    lut = lut / jnp.linalg.norm(lut, axis=1, keepdims=True)
    lut1 = jax.random.normal(k5, (NUM_PID, DIM), dtype=jnp.float32)
    lut1 = lut1 / jnp.linalg.norm(lut1, axis=1, keepdims=True)
    return {"features1": features1, "features": features, "gt_labels": gt_labels, "lut": lut, "lut1": lut1}


def _cross_entropy(logits, labels, weights):
    logZ = jax.nn.logsumexp(logits, axis=1)
    nll = logZ - logits[jnp.arange(logits.shape[0]), labels]
    return jnp.sum(nll * weights) / jnp.sum(weights)


def reference(features1, features, gt_labels, lut, lut1):
    # pids = cat of last column of each gt tensor
    pids = jnp.concatenate([gt_labels[i][:, -1] for i in range(gt_labels.shape[0])], axis=0)
    mask = pids > -1
    maskf = mask.astype(jnp.float32)
    id_labeled = jnp.where(mask, pids, 0)
    feat_labeled = features
    feat_labeled1 = features1
    # HM.apply forward: inputs @ lut.T (lut is a non-learned buffer)
    sim_all = feat_labeled @ lut.T
    sim_all1 = feat_labeled1 @ lut1.T
    scalar = 10.0
    loss = _cross_entropy(sim_all * scalar, id_labeled, maskf)
    loss1 = _cross_entropy(sim_all1 * scalar, id_labeled, maskf)
    loss_cos = 1.0 - jnp.mean(jnp.sum(features * features1, axis=1))
    sim = features @ features.T
    sim1 = features1 @ features1.T
    log_p = jax.nn.log_softmax(sim, axis=-1)
    log_q = jax.nn.log_softmax(sim1, axis=-1)
    p = jax.nn.softmax(sim, axis=-1)
    q = jax.nn.softmax(sim1, axis=-1)
    # torch F.kl_div(log_p, q, reduction='sum') = sum(q * (log q - log_p))
    loss_kl = jnp.sum(q * (jnp.log(q) - log_p))
    loss_kl1 = jnp.sum(p * (jnp.log(p) - log_q))
    return (loss + loss1) / 2.0 + loss_cos + loss_kl + loss_kl1

if __name__ == "__main__":
    import jax
    _d = setup_inputs()
    print(jax.jit(kernel)(*tuple(_d.values())))

</pallas_src>

<mosaic_0001>
#map = affine_map<(d0, d1) -> (0)>
#map1 = affine_map<(d0, d1) -> (0, 0)>
module attributes {stable_mosaic.version = 14 : i64} {
  func.func @_sc_gather(%arg0: i32, %arg1: i32, %arg2: memref<256xi32, #tpu.memory_space<hbm>>, %arg3: memref<256x2048xf32, #tpu.memory_space<hbm>>, %arg4: memref<256x2048xf32, #tpu.memory_space<hbm>>, %arg5: memref<15080x2048xf32, #tpu.memory_space<hbm>>, %arg6: memref<15080x2048xf32, #tpu.memory_space<hbm>>, %arg7: memref<256x16xf32, #tpu.memory_space<hbm>>, %arg8: memref<256x16xf32, #tpu.memory_space<hbm>>, %arg9: memref<8xi32, #tpu.memory_space<vmem>>, %arg10: memref<8x2048xf32, #tpu.memory_space<vmem>>, %arg11: memref<8x2048xf32, #tpu.memory_space<vmem>>, %arg12: memref<8x2048xf32, #tpu.memory_space<vmem>>, %arg13: memref<8x2048xf32, #tpu.memory_space<vmem>>, %arg14: memref<8x16xf32, #tpu.memory_space<vmem>>, %arg15: memref<!tpu.dma_semaphore, #tpu.memory_space<semaphore_mem>>, %arg16: memref<!tpu.dma_semaphore, #tpu.memory_space<semaphore_mem>>) attributes {dimension_semantics = [#tpu.dimension_semantics<core_parallel>, #tpu.dimension_semantics<subcore_parallel>], iteration_bounds = array<i64: 2, 16>, scalar_prefetch = 0 : i64, scratch_operands = 8 : i64, tpu.core_type = #tpu.core_type<sc_vector_subcore>, window_params = [{transform_indices = #map}, {transform_indices = #map1}, {transform_indices = #map1}, {transform_indices = #map1}, {transform_indices = #map1}, {transform_indices = #map1}, {transform_indices = #map1}]} {
    %mul3A = arith.constant 2 : i32
    %mul3A_0 = arith.muli %arg1, %mul3A : i32
    %add3A = arith.addi %mul3A_0, %arg0 : i32
    %mul3A_1 = arith.constant 8 : i32
    %mul3A_2 = arith.muli %add3A, %mul3A_1 : i32
    "tpu.region"() ({
      %run_scoped3A = tpu.sem_alloc : memref<!tpu.dma_semaphore, #tpu.memory_space<semaphore_mem>>
      %dma_start3A_150 = tpu.memref_slice %arg2[%mul3A_2] : memref<256xi32, #tpu.memory_space<hbm>> -> memref<8xi32, #tpu.memory_space<hbm>>
      %dma_start3A_151 = tpu.memref_slice %arg2[%mul3A_2] : memref<256xi32, #tpu.memory_space<hbm>> -> memref<8xi32, #tpu.memory_space<hbm>>
      tpu.enqueue_dma source(%dma_start3A_151 : memref<8xi32, #tpu.memory_space<hbm>>) target(%arg9 : memref<8xi32, #tpu.memory_space<vmem>>) target_semaphore(%run_scoped3A : memref<!tpu.dma_semaphore, #tpu.memory_space<semaphore_mem>>)
      %dma_wait3A_152 = tpu.memref_slice %arg2[%mul3A_2] : memref<256xi32, #tpu.memory_space<hbm>> -> memref<8xi32, #tpu.memory_space<hbm>>
      %dma_wait3A_153 = tpu.memref_slice %arg2[%mul3A_2] : memref<256xi32, #tpu.memory_space<hbm>> -> memref<8xi32, #tpu.memory_space<hbm>>
      tpu.wait_dma2 semaphore(%run_scoped3A : memref<!tpu.dma_semaphore, #tpu.memory_space<semaphore_mem>>) src(%dma_wait3A_153 : memref<8xi32, #tpu.memory_space<hbm>>) dst(%arg9 : memref<8xi32, #tpu.memory_space<vmem>>)
      tpu.yield
    }) : () -> ()
    %dma_start3A = arith.constant 0 : i32
    %dma_start3A_3 = arith.constant 0 : i32
    %dma_start3A_4 = tpu.memref_slice %arg5[%dma_start3A, %dma_start3A_3] : memref<15080x2048xf32, #tpu.memory_space<hbm>> -> memref<15080x2048xf32, #tpu.memory_space<hbm>>
    tpu.enqueue_indirect_dma source(%dma_start3A_4 : memref<15080x2048xf32, #tpu.memory_space<hbm>>) target(%arg10 : memref<8x2048xf32, #tpu.memory_space<vmem>>) offsets(%arg9 : memref<8xi32, #tpu.memory_space<vmem>>) semaphore(%arg15 : memref<!tpu.dma_semaphore, #tpu.memory_space<semaphore_mem>>)
    %dma_start3A_5 = arith.constant 0 : i32
    %dma_start3A_6 = arith.constant 0 : i32
    %dma_start3A_7 = tpu.memref_slice %arg6[%dma_start3A_5, %dma_start3A_6] : memref<15080x2048xf32, #tpu.memory_space<hbm>> -> memref<15080x2048xf32, #tpu.memory_space<hbm>>
    tpu.enqueue_indirect_dma source(%dma_start3A_7 : memref<15080x2048xf32, #tpu.memory_space<hbm>>) target(%arg11 : memref<8x2048xf32, #tpu.memory_space<vmem>>) offsets(%arg9 : memref<8xi32, #tpu.memory_space<vmem>>) semaphore(%arg16 : memref<!tpu.dma_semaphore, #tpu.memory_space<semaphore_mem>>)
    "tpu.region"() ({
      %run_scoped3A = tpu.sem_alloc : memref<!tpu.dma_semaphore, #tpu.memory_space<semaphore_mem>>
      %dma_start3A_150 = arith.constant 0 : i32
      %dma_start3A_151 = tpu.memref_slice %arg3[%mul3A_2, %dma_start3A_150] : memref<256x2048xf32, #tpu.memory_space<hbm>> -> memref<8x2048xf32, #tpu.memory_space<hbm>>
      %dma_start3A_152 = arith.constant 0 : i32
      %dma_start3A_153 = tpu.memref_slice %arg3[%mul3A_2, %dma_start3A_152] : memref<256x2048xf32, #tpu.memory_space<hbm>> -> memref<8x2048xf32, #tpu.memory_space<hbm>>
      tpu.enqueue_dma source(%dma_start3A_153 : memref<8x2048xf32, #tpu.memory_space<hbm>>) target(%arg12 : memref<8x2048xf32, #tpu.memory_space<vmem>>) target_semaphore(%run_scoped3A : memref<!tpu.dma_semaphore, #tpu.memory_space<semaphore_mem>>)
      %dma_wait3A_154 = arith.constant 0 : i32
      %dma_wait3A_155 = tpu.memref_slice %arg3[%mul3A_2, %dma_wait3A_154] : memref<256x2048xf32, #tpu.memory_space<hbm>> -> memref<8x2048xf32, #tpu.memory_space<hbm>>
      %dma_wait3A_156 = arith.constant 0 : i32
      %dma_wait3A_157 = tpu.memref_slice %arg3[%mul3A_2, %dma_wait3A_156] : memref<256x2048xf32, #tpu.memory_space<hbm>> -> memref<8x2048xf32, #tpu.memory_space<hbm>>
      tpu.wait_dma2 semaphore(%run_scoped3A : memref<!tpu.dma_semaphore, #tpu.memory_space<semaphore_mem>>) src(%dma_wait3A_157 : memref<8x2048xf32, #tpu.memory_space<hbm>>) dst(%arg12 : memref<8x2048xf32, #tpu.memory_space<vmem>>)
      tpu.yield
    }) : () -> ()
    "tpu.region"() ({
      %run_scoped3A = tpu.sem_alloc : memref<!tpu.dma_semaphore, #tpu.memory_space<semaphore_mem>>
      %dma_start3A_150 = arith.constant 0 : i32
      %dma_start3A_151 = tpu.memref_slice %arg4[%mul3A_2, %dma_start3A_150] : memref<256x2048xf32, #tpu.memory_space<hbm>> -> memref<8x2048xf32, #tpu.memory_space<hbm>>
      %dma_start3A_152 = arith.constant 0 : i32
      %dma_start3A_153 = tpu.memref_slice %arg4[%mul3A_2, %dma_start3A_152] : memref<256x2048xf32, #tpu.memory_space<hbm>> -> memref<8x2048xf32, #tpu.memory_space<hbm>>
      tpu.enqueue_dma source(%dma_start3A_153 : memref<8x2048xf32, #tpu.memory_space<hbm>>) target(%arg13 : memref<8x2048xf32, #tpu.memory_space<vmem>>) target_semaphore(%run_scoped3A : memref<!tpu.dma_semaphore, #tpu.memory_space<semaphore_mem>>)
      %dma_wait3A_154 = arith.constant 0 : i32
      %dma_wait3A_155 = tpu.memref_slice %arg4[%mul3A_2, %dma_wait3A_154] : memref<256x2048xf32, #tpu.memory_space<hbm>> -> memref<8x2048xf32, #tpu.memory_space<hbm>>
      %dma_wait3A_156 = arith.constant 0 : i32
      %dma_wait3A_157 = tpu.memref_slice %arg4[%mul3A_2, %dma_wait3A_156] : memref<256x2048xf32, #tpu.memory_space<hbm>> -> memref<8x2048xf32, #tpu.memory_space<hbm>>
      tpu.wait_dma2 semaphore(%run_scoped3A : memref<!tpu.dma_semaphore, #tpu.memory_space<semaphore_mem>>) src(%dma_wait3A_157 : memref<8x2048xf32, #tpu.memory_space<hbm>>) dst(%arg13 : memref<8x2048xf32, #tpu.memory_space<vmem>>)
      tpu.yield
    }) : () -> ()
    %dma_wait3A = arith.constant 0 : i32
    %dma_wait3A_8 = arith.constant 0 : i32
    %dma_wait3A_9 = tpu.memref_slice %arg5[%dma_wait3A, %dma_wait3A_8] : memref<15080x2048xf32, #tpu.memory_space<hbm>> -> memref<15080x2048xf32, #tpu.memory_space<hbm>>
    tpu.wait_indirect_dma semaphore(%arg15 : memref<!tpu.dma_semaphore, #tpu.memory_space<semaphore_mem>>) src(%dma_wait3A_9 : memref<15080x2048xf32, #tpu.memory_space<hbm>>) dst(%arg10 : memref<8x2048xf32, #tpu.memory_space<vmem>>)
    %broadcast_in_dim3A = arith.constant 0.000000e+00 : f32
    %broadcast_in_dim3A_10 = vector.broadcast %broadcast_in_dim3A : f32 to vector<16xf32>
    %broadcast_in_dim3A_11 = arith.constant 0.000000e+00 : f32
    %broadcast_in_dim3A_12 = vector.broadcast %broadcast_in_dim3A_11 : f32 to vector<16xf32>
    %broadcast_in_dim3A_13 = arith.constant 0.000000e+00 : f32
    %broadcast_in_dim3A_14 = vector.broadcast %broadcast_in_dim3A_13 : f32 to vector<16xf32>
    %broadcast_in_dim3A_15 = arith.constant 0.000000e+00 : f32
    %broadcast_in_dim3A_16 = vector.broadcast %broadcast_in_dim3A_15 : f32 to vector<16xf32>
    %broadcast_in_dim3A_17 = arith.constant 0.000000e+00 : f32
    %broadcast_in_dim3A_18 = vector.broadcast %broadcast_in_dim3A_17 : f32 to vector<16xf32>
    %broadcast_in_dim3A_19 = arith.constant 0.000000e+00 : f32
    %broadcast_in_dim3A_20 = vector.broadcast %broadcast_in_dim3A_19 : f32 to vector<16xf32>
    %broadcast_in_dim3A_21 = arith.constant 0.000000e+00 : f32
    %broadcast_in_dim3A_22 = vector.broadcast %broadcast_in_dim3A_21 : f32 to vector<16xf32>
    %broadcast_in_dim3A_23 = arith.constant 0.000000e+00 : f32
    %broadcast_in_dim3A_24 = vector.broadcast %broadcast_in_dim3A_23 : f32 to vector<16xf32>
    %scan3A = arith.constant 0 : i32
    %scan3A_25 = arith.constant 32 : i32
    %scan3A_26 = arith.addi %scan3A, %scan3A_25 : i32
    %scan3A_27 = arith.constant 1 : i32
    %scan3A_28:8 = scf.for %scan3A_150 = %scan3A to %scan3A_26 step %scan3A_27 iter_args(%scan3A_151 = %broadcast_in_dim3A_10, %scan3A_152 = %broadcast_in_dim3A_12, %scan3A_153 = %broadcast_in_dim3A_14, %scan3A_154 = %broadcast_in_dim3A_16, %scan3A_155 = %broadcast_in_dim3A_18, %scan3A_156 = %broadcast_in_dim3A_20, %scan3A_157 = %broadcast_in_dim3A_22, %scan3A_158 = %broadcast_in_dim3A_24) -> (vector<16xf32>, vector<16xf32>, vector<16xf32>, vector<16xf32>, vector<16xf32>, vector<16xf32>, vector<16xf32>, vector<16xf32>)  : i32 {
      %mul3A_159 = arith.constant 4 : i32
      %mul3A_160 = arith.muli %scan3A_150, %mul3A_159 : i32
      %add3A_161 = arith.constant 0 : i32
      %add3A_162 = arith.addi %mul3A_160, %add3A_161 : i32
      %mul3A_163 = arith.constant 16 : i32
      %mul3A_164 = arith.muli %add3A_162, %mul3A_163 : i32
      %get3A = arith.constant 0 : i32
      %get3A_165 = arith.index_cast %get3A : i32 to index
      %get3A_166 = arith.index_cast %mul3A_164 : i32 to index
      %get3A_167 = tpu.vector_load %arg10[%get3A_165, %get3A_166] {strides = array<i32>} : memref<8x2048xf32, #tpu.memory_space<vmem>>, vector<1x16xf32>,
      %get3A_168 = vector.shape_cast %get3A_167 : vector<1x16xf32> to vector<16xf32>
      %get3A_169 = arith.constant 0 : i32
      %get3A_170 = arith.index_cast %get3A_169 : i32 to index
      %get3A_171 = arith.index_cast %mul3A_164 : i32 to index
      %get3A_172 = tpu.vector_load %arg12[%get3A_170, %get3A_171] {strides = array<i32>} : memref<8x2048xf32, #tpu.memory_space<vmem>>, vector<1x16xf32>,
      %get3A_173 = vector.shape_cast %get3A_172 : vector<1x16xf32> to vector<16xf32>
      %mul3A_174 = arith.mulf %get3A_168, %get3A_173 : vector<16xf32>
      %add3A_175 = arith.addf %scan3A_151, %mul3A_174 : vector<16xf32>
      %get3A_176 = arith.constant 1 : i32
      %get3A_177 = arith.index_cast %get3A_176 : i32 to index
      %get3A_178 = arith.index_cast %mul3A_164 : i32 to index
      %get3A_179 = tpu.vector_load %arg10[%get3A_177, %get3A_178] {strides = array<i32>} : memref<8x2048xf32, #tpu.memory_space<vmem>>, vector<1x16xf32>,
      %get3A_180 = vector.shape_cast %get3A_179 : vector<1x16xf32> to vector<16xf32>
      %get3A_181 = arith.constant 1 : i32
      %get3A_182 = arith.index_cast %get3A_181 : i32 to index
      %get3A_183 = arith.index_cast %mul3A_164 : i32 to index
      %get3A_184 = tpu.vector_load %arg12[%get3A_182, %get3A_183] {strides = array<i32>} : memref<8x2048xf32, #tpu.memory_space<vmem>>, vector<1x16xf32>,
      %get3A_185 = vector.shape_cast %get3A_184 : vector<1x16xf32> to vector<16xf32>
      %mul3A_186 = arith.mulf %get3A_180, %get3A_185 : vector<16xf32>
      %add3A_187 = arith.addf %scan3A_152, %mul3A_186 : vector<16xf32>
      %get3A_188 = arith.constant 2 : i32
      %get3A_189 = arith.index_cast %get3A_188 : i32 to index
      %get3A_190 = arith.index_cast %mul3A_164 : i32 to index
      %get3A_191 = tpu.vector_load %arg10[%get3A_189, %get3A_190] {strides = array<i32>} : memref<8x2048xf32, #tpu.memory_space<vmem>>, vector<1x16xf32>,
      %get3A_192 = vector.shape_cast %get3A_191 : vector<1x16xf32> to vector<16xf32>
      %get3A_193 = arith.constant 2 : i32
      %get3A_194 = arith.index_cast %get3A_193 : i32 to index
      %get3A_195 = arith.index_cast %mul3A_164 : i32 to index
      %get3A_196 = tpu.vector_load %arg12[%get3A_194, %get3A_195] {strides = array<i32>} : memref<8x2048xf32, #tpu.memory_space<vmem>>, vector<1x16xf32>,
      %get3A_197 = vector.shape_cast %get3A_196 : vector<1x16xf32> to vector<16xf32>
      %mul3A_198 = arith.mulf %get3A_192, %get3A_197 : vector<16xf32>
      %add3A_199 = arith.addf %scan3A_153, %mul3A_198 : vector<16xf32>
      %get3A_200 = arith.constant 3 : i32
      %get3A_201 = arith.index_cast %get3A_200 : i32 to index
      %get3A_202 = arith.index_cast %mul3A_164 : i32 to index
      %get3A_203 = tpu.vector_load %arg10[%get3A_201, %get3A_202] {strides = array<i32>} : memref<8x2048xf32, #tpu.memory_space<vmem>>, vector<1x16xf32>,
      %get3A_204 = vector.shape_cast %get3A_203 : vector<1x16xf32> to vector<16xf32>
      %get3A_205 = arith.constant 3 : i32
      %get3A_206 = arith.index_cast %get3A_205 : i32 to index
      %get3A_207 = arith.index_cast %mul3A_164 : i32 to index
      %get3A_208 = tpu.vector_load %arg12[%get3A_206, %get3A_207] {strides = array<i32>} : memref<8x2048xf32, #tpu.memory_space<vmem>>, vector<1x16xf32>,
      %get3A_209 = vector.shape_cast %get3A_208 : vector<1x16xf32> to vector<16xf32>
      %mul3A_210 = arith.mulf %get3A_204, %get3A_209 : vector<16xf32>
      %add3A_211 = arith.addf %scan3A_154, %mul3A_210 : vector<16xf32>
      %get3A_212 = arith.constant 4 : i32
      %get3A_213 = arith.index_cast %get3A_212 : i32 to index
      %get3A_214 = arith.index_cast %mul3A_164 : i32 to index
      %get3A_215 = tpu.vector_load %arg10[%get3A_213, %get3A_214] {strides = array<i32>} : memref<8x2048xf32, #tpu.memory_space<vmem>>, vector<1x16xf32>,
      %get3A_216 = vector.shape_cast %get3A_215 : vector<1x16xf32> to vector<16xf32>
      %get3A_217 = arith.constant 4 : i32
      %get3A_218 = arith.index_cast %get3A_217 : i32 to index
      %get3A_219 = arith.index_cast %mul3A_164 : i32 to index
      %get3A_220 = tpu.vector_load %arg12[%get3A_218, %get3A_219] {strides = array<i32>} : memref<8x2048xf32, #tpu.memory_space<vmem>>, vector<1x16xf32>,
      %get3A_221 = vector.shape_cast %get3A_220 : vector<1x16xf32> to vector<16xf32>
      %mul3A_222 = arith.mulf %get3A_216, %get3A_221 : vector<16xf32>
      %add3A_223 = arith.addf %scan3A_155, %mul3A_222 : vector<16xf32>
      %get3A_224 = arith.constant 5 : i32
      %get3A_225 = arith.index_cast %get3A_224 : i32 to index
      %get3A_226 = arith.index_cast %mul3A_164 : i32 to index
      %get3A_227 = tpu.vector_load %arg10[%get3A_225, %get3A_226] {strides = array<i32>} : memref<8x2048xf32, #tpu.memory_space<vmem>>, vector<1x16xf32>,
      %get3A_228 = vector.shape_cast %get3A_227 : vector<1x16xf32> to vector<16xf32>
      %get3A_229 = arith.constant 5 : i32
      %get3A_230 = arith.index_cast %get3A_229 : i32 to index
      %get3A_231 = arith.index_cast %mul3A_164 : i32 to index
      %get3A_232 = tpu.vector_load %arg12[%get3A_230, %get3A_231] {strides = array<i32>} : memref<8x2048xf32, #tpu.memory_space<vmem>>, vector<1x16xf32>,
      %get3A_233 = vector.shape_cast %get3A_232 : vector<1x16xf32> to vector<16xf32>
      %mul3A_234 = arith.mulf %get3A_228, %get3A_233 : vector<16xf32>
      %add3A_235 = arith.addf %scan3A_156, %mul3A_234 : vector<16xf32>
      %get3A_236 = arith.constant 6 : i32
      %get3A_237 = arith.index_cast %get3A_236 : i32 to index
      %get3A_238 = arith.index_cast %mul3A_164 : i32 to index
      %get3A_239 = tpu.vector_load %arg10[%get3A_237, %get3A_238] {strides = array<i32>} : memref<8x2048xf32, #tpu.memory_space<vmem>>, vector<1x16xf32>,
      %get3A_240 = vector.shape_cast %get3A_239 : vector<1x16xf32> to vector<16xf32>
      %get3A_241 = arith.constant 6 : i32
      %get3A_242 = arith.index_cast %get3A_241 : i32 to index
      %get3A_243 = arith.index_cast %mul3A_164 : i32 to index
      %get3A_244 = tpu.vector_load %arg12[%get3A_242, %get3A_243] {strides = array<i32>} : memref<8x2048xf32, #tpu.memory_space<vmem>>, vector<1x16xf32>,
      %get3A_245 = vector.shape_cast %get3A_244 : vector<1x16xf32> to vector<16xf32>
      %mul3A_246 = arith.mulf %get3A_240, %get3A_245 : vector<16xf32>
      %add3A_247 = arith.addf %scan3A_157, %mul3A_246 : vector<16xf32>
      %get3A_248 = arith.constant 7 : i32
      %get3A_249 = arith.index_cast %get3A_248 : i32 to index
      %get3A_250 = arith.index_cast %mul3A_164 : i32 to index
      %get3A_251 = tpu.vector_load %arg10[%get3A_249, %get3A_250] {strides = array<i32>} : memref<8x2048xf32, #tpu.memory_space<vmem>>, vector<1x16xf32>,
      %get3A_252 = vector.shape_cast %get3A_251 : vector<1x16xf32> to vector<16xf32>
      %get3A_253 = arith.constant 7 : i32
      %get3A_254 = arith.index_cast %get3A_253 : i32 to index
      %get3A_255 = arith.index_cast %mul3A_164 : i32 to index
      %get3A_256 = tpu.vector_load %arg12[%get3A_254, %get3A_255] {strides = array<i32>} : memref<8x2048xf32, #tpu.memory_space<vmem>>, vector<1x16xf32>,
      %get3A_257 = vector.shape_cast %get3A_256 : vector<1x16xf32> to vector<16xf32>
      %mul3A_258 = arith.mulf %get3A_252, %get3A_257 : vector<16xf32>
      %add3A_259 = arith.addf %scan3A_158, %mul3A_258 : vector<16xf32>
      %mul3A_260 = arith.constant 4 : i32
      %mul3A_261 = arith.muli %scan3A_150, %mul3A_260 : i32
      %add3A_262 = arith.constant 1 : i32
      %add3A_263 = arith.addi %mul3A_261, %add3A_262 : i32
      %mul3A_264 = arith.constant 16 : i32
      %mul3A_265 = arith.muli %add3A_263, %mul3A_264 : i32
      %get3A_266 = arith.constant 0 : i32
      %get3A_267 = arith.index_cast %get3A_266 : i32 to index
      %get3A_268 = arith.index_cast %mul3A_265 : i32 to index
      %get3A_269 = tpu.vector_load %arg10[%get3A_267, %get3A_268] {strides = array<i32>} : memref<8x2048xf32, #tpu.memory_space<vmem>>, vector<1x16xf32>,
      %get3A_270 = vector.shape_cast %get3A_269 : vector<1x16xf32> to vector<16xf32>
      %get3A_271 = arith.constant 0 : i32
      %get3A_272 = arith.index_cast %get3A_271 : i32 to index
      %get3A_273 = arith.index_cast %mul3A_265 : i32 to index
      %get3A_274 = tpu.vector_load %arg12[%get3A_272, %get3A_273] {strides = array<i32>} : memref<8x2048xf32, #tpu.memory_space<vmem>>, vector<1x16xf32>,
      %get3A_275 = vector.shape_cast %get3A_274 : vector<1x16xf32> to vector<16xf32>
      %mul3A_276 = arith.mulf %get3A_270, %get3A_275 : vector<16xf32>
      %add3A_277 = arith.addf %add3A_175, %mul3A_276 : vector<16xf32>
      %get3A_278 = arith.constant 1 : i32
      %get3A_279 = arith.index_cast %get3A_278 : i32 to index
      %get3A_280 = arith.index_cast %mul3A_265 : i32 to index
      %get3A_281 = tpu.vector_load %arg10[%get3A_279, %get3A_280] {strides = array<i32>} : memref<8x2048xf32, #tpu.memory_space<vmem>>, vector<1x16xf32>,
      %get3A_282 = vector.shape_cast %get3A_281 : vector<1x16xf32> to vector<16xf32>
      %get3A_283 = arith.constant 1 : i32
      %get3A_284 = arith.index_cast %get3A_283 : i32 to index
      %get3A_285 = arith.index_cast %mul3A_265 : i32 to index
      %get3A_286 = tpu.vector_load %arg12[%get3A_284, %get3A_285] {strides = array<i32>} : memref<8x2048xf32, #tpu.memory_space<vmem>>, vector<1x16xf32>,
      %get3A_287 = vector.shape_cast %get3A_286 : vector<1x16xf32> to vector<16xf32>
      %mul3A_288 = arith.mulf %get3A_282, %get3A_287 : vector<16xf32>
      %add3A_289 = arith.addf %add3A_187, %mul3A_288 : vector<16xf32>
      %get3A_290 = arith.constant 2 : i32
      %get3A_291 = arith.index_cast %get3A_290 : i32 to index
      %get3A_292 = arith.index_cast %mul3A_265 : i32 to index
      %get3A_293 = tpu.vector_load %arg10[%get3A_291, %get3A_292] {strides = array<i32>} : memref<8x2048xf32, #tpu.memory_space<vmem>>, vector<1x16xf32>,
      %get3A_294 = vector.shape_cast %get3A_293 : vector<1x16xf32> to vector<16xf32>
      %get3A_295 = arith.constant 2 : i32
      %get3A_296 = arith.index_cast %get3A_295 : i32 to index
      %get3A_297 = arith.index_cast %mul3A_265 : i32 to index
      %get3A_298 = tpu.vector_load %arg12[%get3A_296, %get3A_297] {strides = array<i32>} : memref<8x2048xf32, #tpu.memory_space<vmem>>, vector<1x16xf32>,
      %get3A_299 = vector.shape_cast %get3A_298 : vector<1x16xf32> to vector<16xf32>
      %mul3A_300 = arith.mulf %get3A_294, %get3A_299 : vector<16xf32>
      %add3A_301 = arith.addf %add3A_199, %mul3A_300 : vector<16xf32>
      %get3A_302 = arith.constant 3 : i32
      %get3A_303 = arith.index_cast %get3A_302 : i32 to index
      %get3A_304 = arith.index_cast %mul3A_265 : i32 to index
      %get3A_305 = tpu.vector_load %arg10[%get3A_303, %get3A_304] {strides = array<i32>} : memref<8x2048xf32, #tpu.memory_space<vmem>>, vector<1x16xf32>,
      %get3A_306 = vector.shape_cast %get3A_305 : vector<1x16xf32> to vector<16xf32>
      %get3A_307 = arith.constant 3 : i32
      %get3A_308 = arith.index_cast %get3A_307 : i32 to index
      %get3A_309 = arith.index_cast %mul3A_265 : i32 to index
      %get3A_310 = tpu.vector_load %arg12[%get3A_308, %get3A_309] {strides = array<i32>} : memref<8x2048xf32, #tpu.memory_space<vmem>>, vector<1x16xf32>,
      %get3A_311 = vector.shape_cast %get3A_310 : vector<1x16xf32> to vector<16xf32>
      %mul3A_312 = arith.mulf %get3A_306, %get3A_311 : vector<16xf32>
      %add3A_313 = arith.addf %add3A_211, %mul3A_312 : vector<16xf32>
      %get3A_314 = arith.constant 4 : i32
      %get3A_315 = arith.index_cast %get3A_314 : i32 to index
      %get3A_316 = arith.index_cast %mul3A_265 : i32 to index
      %get3A_317 = tpu.vector_load %arg10[%get3A_315, %get3A_316] {strides = array<i32>} : memref<8x2048xf32, #tpu.memory_space<vmem>>, vector<1x16xf32>,
      %get3A_318 = vector.shape_cast %get3A_317 : vector<1x16xf32> to vector<16xf32>
      %get3A_319 = arith.constant 4 : i32
      %get3A_320 = arith.index_cast %get3A_319 : i32 to index
      %get3A_321 = arith.index_cast %mul3A_265 : i32 to index
      %get3A_322 = tpu.vector_load %arg12[%get3A_320, %get3A_321] {strides = array<i32>} : memref<8x2048xf32, #tpu.memory_space<vmem>>, vector<1x16xf32>,
      %get3A_323 = vector.shape_cast %get3A_322 : vector<1x16xf32> to vector<16xf32>
      %mul3A_324 = arith.mulf %get3A_318, %get3A_323 : vector<16xf32>
      %add3A_325 = arith.addf %add3A_223, %mul3A_324 : vector<16xf32>
      %get3A_326 = arith.constant 5 : i32
      %get3A_327 = arith.index_cast %get3A_326 : i32 to index
      %get3A_328 = arith.index_cast %mul3A_265 : i32 to index
      %get3A_329 = tpu.vector_load %arg10[%get3A_327, %get3A_328] {strides = array<i32>} : memref<8x2048xf32, #tpu.memory_space<vmem>>, vector<1x16xf32>,
      %get3A_330 = vector.shape_cast %get3A_329 : vector<1x16xf32> to vector<16xf32>
      %get3A_331 = arith.constant 5 : i32
      %get3A_332 = arith.index_cast %get3A_331 : i32 to index
      %get3A_333 = arith.index_cast %mul3A_265 : i32 to index
      %get3A_334 = tpu.vector_load %arg12[%get3A_332, %get3A_333] {strides = array<i32>} : memref<8x2048xf32, #tpu.memory_space<vmem>>, vector<1x16xf32>,
      %get3A_335 = vector.shape_cast %get3A_334 : vector<1x16xf32> to vector<16xf32>
      %mul3A_336 = arith.mulf %get3A_330, %get3A_335 : vector<16xf32>
      %add3A_337 = arith.addf %add3A_235, %mul3A_336 : vector<16xf32>
      %get3A_338 = arith.constant 6 : i32
      %get3A_339 = arith.index_cast %get3A_338 : i32 to index
      %get3A_340 = arith.index_cast %mul3A_265 : i32 to index
      %get3A_341 = tpu.vector_load %arg10[%get3A_339, %get3A_340] {strides = array<i32>} : memref<8x2048xf32, #tpu.memory_space<vmem>>, vector<1x16xf32>,
      %get3A_342 = vector.shape_cast %get3A_341 : vector<1x16xf32> to vector<16xf32>
      %get3A_343 = arith.constant 6 : i32
      %get3A_344 = arith.index_cast %get3A_343 : i32 to index
      %get3A_345 = arith.index_cast %mul3A_265 : i32 to index
      %get3A_346 = tpu.vector_load %arg12[%get3A_344, %get3A_345] {strides = array<i32>} : memref<8x2048xf32, #tpu.memory_space<vmem>>, vector<1x16xf32>,
      %get3A_347 = vector.shape_cast %get3A_346 : vector<1x16xf32> to vector<16xf32>
      %mul3A_348 = arith.mulf %get3A_342, %get3A_347 : vector<16xf32>
      %add3A_349 = arith.addf %add3A_247, %mul3A_348 : vector<16xf32>
      %get3A_350 = arith.constant 7 : i32
      %get3A_351 = arith.index_cast %get3A_350 : i32 to index
      %get3A_352 = arith.index_cast %mul3A_265 : i32 to index
      %get3A_353 = tpu.vector_load %arg10[%get3A_351, %get3A_352] {strides = array<i32>} : memref<8x2048xf32, #tpu.memory_space<vmem>>, vector<1x16xf32>,
      %get3A_354 = vector.shape_cast %get3A_353 : vector<1x16xf32> to vector<16xf32>
      %get3A_355 = arith.constant 7 : i32
      %get3A_356 = arith.index_cast %get3A_355 : i32 to index
      %get3A_357 = arith.index_cast %mul3A_265 : i32 to index
      %get3A_358 = tpu.vector_load %arg12[%get3A_356, %get3A_357] {strides = array<i32>} : memref<8x2048xf32, #tpu.memory_space<vmem>>, vector<1x16xf32>,
      %get3A_359 = vector.shape_cast %get3A_358 : vector<1x16xf32> to vector<16xf32>
      %mul3A_360 = arith.mulf %get3A_354, %get3A_359 : vector<16xf32>
      %add3A_361 = arith.addf %add3A_259, %mul3A_360 : vector<16xf32>
      %mul3A_362 = arith.constant 4 : i32
      %mul3A_363 = arith.muli %scan3A_150, %mul3A_362 : i32
      %add3A_364 = arith.constant 2 : i32
      %add3A_365 = arith.addi %mul3A_363, %add3A_364 : i32
      %mul3A_366 = arith.constant 16 : i32
      %mul3A_367 = arith.muli %add3A_365, %mul3A_366 : i32
      %get3A_368 = arith.constant 0 : i32
      %get3A_369 = arith.index_cast %get3A_368 : i32 to index
      %get3A_370 = arith.index_cast %mul3A_367 : i32 to index
      %get3A_371 = tpu.vector_load %arg10[%get3A_369, %get3A_370] {strides = array<i32>} : memref<8x2048xf32, #tpu.memory_space<vmem>>, vector<1x16xf32>,
      %get3A_372 = vector.shape_cast %get3A_371 : vector<1x16xf32> to vector<16xf32>
      %get3A_373 = arith.constant 0 : i32
      %get3A_374 = arith.index_cast %get3A_373 : i32 to index
      %get3A_375 = arith.index_cast %mul3A_367 : i32 to index
      %get3A_376 = tpu.vector_load %arg12[%get3A_374, %get3A_375] {strides = array<i32>} : memref<8x2048xf32, #tpu.memory_space<vmem>>, vector<1x16xf32>,
      %get3A_377 = vector.shape_cast %get3A_376 : vector<1x16xf32> to vector<16xf32>
      %mul3A_378 = arith.mulf %get3A_372, %get3A_377 : vector<16xf32>
      %add3A_379 = arith.addf %add3A_277, %mul3A_378 : vector<16xf32>
      %get3A_380 = arith.constant 1 : i32
      %get3A_381 = arith.index_cast %get3A_380 : i32 to index
      %get3A_382 = arith.index_cast %mul3A_367 : i32 to index
      %get3A_383 = tpu.vector_load %arg10[%get3A_381, %get3A_382] {strides = array<i32>} : memref<8x2048xf32, #tpu.memory_space<vmem>>, vector<1x16xf32>,
      %get3A_384 = vector.shape_cast %get3A_383 : vector<1x16xf32> to vector<16xf32>
      %get3A_385 = arith.constant 1 : i32
      %get3A_386 = arith.index_cast %get3A_385 : i32 to index
      %get3A_387 = arith.index_cast %mul3A_367 : i32 to index
      %get3A_388 = tpu.vector_load %arg12[%get3A_386, %get3A_387] {strides = array<i32>} : memref<8x2048xf32, #tpu.memory_space<vmem>>, vector<1x16xf32>,
      %get3A_389 = vector.shape_cast %get3A_388 : vector<1x16xf32> to vector<16xf32>
      %mul3A_390 = arith.mulf %get3A_384, %get3A_389 : vector<16xf32>
      %add3A_391 = arith.addf %add3A_289, %mul3A_390 : vector<16xf32>
      %get3A_392 = arith.constant 2 : i32
      %get3A_393 = arith.index_cast %get3A_392 : i32 to index
      %get3A_394 = arith.index_cast %mul3A_367 : i32 to index
      %get3A_395 = tpu.vector_load %arg10[%get3A_393, %get3A_394] {strides = array<i32>} : memref<8x2048xf32, #tpu.memory_space<vmem>>, vector<1x16xf32>,
      %get3A_396 = vector.shape_cast %get3A_395 : vector<1x16xf32> to vector<16xf32>
      %get3A_397 = arith.constant 2 : i32
      %get3A_398 = arith.index_cast %get3A_397 : i32 to index
      %get3A_399 = arith.index_cast %mul3A_367 : i32 to index
      %get3A_400 = tpu.vector_load %arg12[%get3A_398, %get3A_399] {strides = array<i32>} : memref<8x2048xf32, #tpu.memory_space<vmem>>, vector<1x16xf32>,
      %get3A_401 = vector.shape_cast %get3A_400 : vector<1x16xf32> to vector<16xf32>
      %mul3A_402 = arith.mulf %get3A_396, %get3A_401 : vector<16xf32>
      %add3A_403 = arith.addf %add3A_301, %mul3A_402 : vector<16xf32>
      %get3A_404 = arith.constant 3 : i32
      %get3A_405 = arith.index_cast %get3A_404 : i32 to index
      %get3A_406 = arith.index_cast %mul3A_367 : i32 to index
      %get3A_407 = tpu.vector_load %arg10[%get3A_405, %get3A_406] {strides = array<i32>} : memref<8x2048xf32, #tpu.memory_space<vmem>>, vector<1x16xf32>,
      %get3A_408 = vector.shape_cast %get3A_407 : vector<1x16xf32> to vector<16xf32>
      %get3A_409 = arith.constant 3 : i32
      %get3A_410 = arith.index_cast %get3A_409 : i32 to index
      %get3A_411 = arith.index_cast %mul3A_367 : i32 to index
      %get3A_412 = tpu.vector_load %arg12[%get3A_410, %get3A_411] {strides = array<i32>} : memref<8x2048xf32, #tpu.memory_space<vmem>>, vector<1x16xf32>,
      %get3A_413 = vector.shape_cast %get3A_412 : vector<1x16xf32> to vector<16xf32>
      %mul3A_414 = arith.mulf %get3A_408, %get3A_413 : vector<16xf32>
      %add3A_415 = arith.addf %add3A_313, %mul3A_414 : vector<16xf32>
      %get3A_416 = arith.constant 4 : i32
      %get3A_417 = arith.index_cast %get3A_416 : i32 to index
      %get3A_418 = arith.index_cast %mul3A_367 : i32 to index
      %get3A_419 = tpu.vector_load %arg10[%get3A_417, %get3A_418] {strides = array<i32>} : memref<8x2048xf32, #tpu.memory_space<vmem>>, vector<1x16xf32>,
      %get3A_420 = vector.shape_cast %get3A_419 : vector<1x16xf32> to vector<16xf32>
      %get3A_421 = arith.constant 4 : i32
      %get3A_422 = arith.index_cast %get3A_421 : i32 to index
      %get3A_423 = arith.index_cast %mul3A_367 : i32 to index
      %get3A_424 = tpu.vector_load %arg12[%get3A_422, %get3A_423] {strides = array<i32>} : memref<8x2048xf32, #tpu.memory_space<vmem>>, vector<1x16xf32>,
      %get3A_425 = vector.shape_cast %get3A_424 : vector<1x16xf32> to vector<16xf32>
      %mul3A_426 = arith.mulf %get3A_420, %get3A_425 : vector<16xf32>
      %add3A_427 = arith.addf %add3A_325, %mul3A_426 : vector<16xf32>
      %get3A_428 = arith.constant 5 : i32
      %get3A_429 = arith.index_cast %get3A_428 : i32 to index
      %get3A_430 = arith.index_cast %mul3A_367 : i32 to index
      %get3A_431 = tpu.vector_load %arg10[%get3A_429, %get3A_430] {strides = array<i32>} : memref<8x2048xf32, #tpu.memory_space<vmem>>, vector<1x16xf32>,
      %get3A_432 = vector.shape_cast %get3A_431 : vector<1x16xf32> to vector<16xf32>
      %get3A_433 = arith.constant 5 : i32
      %get3A_434 = arith.index_cast %get3A_433 : i32 to index
      %get3A_435 = arith.index_cast %mul3A_367 : i32 to index
      %get3A_436 = tpu.vector_load %arg12[%get3A_434, %get3A_435] {strides = array<i32>} : memref<8x2048xf32, #tpu.memory_space<vmem>>, vector<1x16xf32>,
      %get3A_437 = vector.shape_cast %get3A_436 : vector<1x16xf32> to vector<16xf32>
      %mul3A_438 = arith.mulf %get3A_432, %get3A_437 : vector<16xf32>
      %add3A_439 = arith.addf %add3A_337, %mul3A_438 : vector<16xf32>
      %get3A_440 = arith.constant 6 : i32
      %get3A_441 = arith.index_cast %get3A_440 : i32 to index
      %get3A_442 = arith.index_cast %mul3A_367 : i32 to index
      %get3A_443 = tpu.vector_load %arg10[%get3A_441, %get3A_442] {strides = array<i32>} : memref<8x2048xf32, #tpu.memory_space<vmem>>, vector<1x16xf32>,
      %get3A_444 = vector.shape_cast %get3A_443 : vector<1x16xf32> to vector<16xf32>
      %get3A_445 = arith.constant 6 : i32
      %get3A_446 = arith.index_cast %get3A_445 : i32 to index
      %get3A_447 = arith.index_cast %mul3A_367 : i32 to index
      %get3A_448 = tpu.vector_load %arg12[%get3A_446, %get3A_447] {strides = array<i32>} : memref<8x2048xf32, #tpu.memory_space<vmem>>, vector<1x16xf32>,
      %get3A_449 = vector.shape_cast %get3A_448 : vector<1x16xf32> to vector<16xf32>
      %mul3A_450 = arith.mulf %get3A_444, %get3A_449 : vector<16xf32>
      %add3A_451 = arith.addf %add3A_349, %mul3A_450 : vector<16xf32>
      %get3A_452 = arith.constant 7 : i32
      %get3A_453 = arith.index_cast %get3A_452 : i32 to index
      %get3A_454 = arith.index_cast %mul3A_367 : i32 to index
      %get3A_455 = tpu.vector_load %arg10[%get3A_453, %get3A_454] {strides = array<i32>} : memref<8x2048xf32, #tpu.memory_space<vmem>>, vector<1x16xf32>,
      %get3A_456 = vector.shape_cast %get3A_455 : vector<1x16xf32> to vector<16xf32>
      %get3A_457 = arith.constant 7 : i32
      %get3A_458 = arith.index_cast %get3A_457 : i32 to index
      %get3A_459 = arith.index_cast %mul3A_367 : i32 to index
      %get3A_460 = tpu.vector_load %arg12[%get3A_458, %get3A_459] {strides = array<i32>} : memref<8x2048xf32, #tpu.memory_space<vmem>>, vector<1x16xf32>,
      %get3A_461 = vector.shape_cast %get3A_460 : vector<1x16xf32> to vector<16xf32>
      %mul3A_462 = arith.mulf %get3A_456, %get3A_461 : vector<16xf32>
      %add3A_463 = arith.addf %add3A_361, %mul3A_462 : vector<16xf32>
      %mul3A_464 = arith.constant 4 : i32
      %mul3A_465 = arith.muli %scan3A_150, %mul3A_464 : i32
      %add3A_466 = arith.constant 3 : i32
      %add3A_467 = arith.addi %mul3A_465, %add3A_466 : i32
      %mul3A_468 = arith.constant 16 : i32
      %mul3A_469 = arith.muli %add3A_467, %mul3A_468 : i32
      %get3A_470 = arith.constant 0 : i32
      %get3A_471 = arith.index_cast %get3A_470 : i32 to index
      %get3A_472 = arith.index_cast %mul3A_469 : i32 to index
      %get3A_473 = tpu.vector_load %arg10[%get3A_471, %get3A_472] {strides = array<i32>} : memref<8x2048xf32, #tpu.memory_space<vmem>>, vector<1x16xf32>,
      %get3A_474 = vector.shape_cast %get3A_473 : vector<1x16xf32> to vector<16xf32>
      %get3A_475 = arith.constant 0 : i32
      %get3A_476 = arith.index_cast %get3A_475 : i32 to index
      %get3A_477 = arith.index_cast %mul3A_469 : i32 to index
      %get3A_478 = tpu.vector_load %arg12[%get3A_476, %get3A_477] {strides = array<i32>} : memref<8x2048xf32, #tpu.memory_space<vmem>>, vector<1x16xf32>,
      %get3A_479 = vector.shape_cast %get3A_478 : vector<1x16xf32> to vector<16xf32>
      %mul3A_480 = arith.mulf %get3A_474, %get3A_479 : vector<16xf32>
      %add3A_481 = arith.addf %add3A_379, %mul3A_480 : vector<16xf32>
      %get3A_482 = arith.constant 1 : i32
      %get3A_483 = arith.index_cast %get3A_482 : i32 to index
      %get3A_484 = arith.index_cast %mul3A_469 : i32 to index
      %get3A_485 = tpu.vector_load %arg10[%get3A_483, %get3A_484] {strides = array<i32>} : memref<8x2048xf32, #tpu.memory_space<vmem>>, vector<1x16xf32>,
      %get3A_486 = vector.shape_cast %get3A_485 : vector<1x16xf32> to vector<16xf32>
      %get3A_487 = arith.constant 1 : i32
      %get3A_488 = arith.index_cast %get3A_487 : i32 to index
      %get3A_489 = arith.index_cast %mul3A_469 : i32 to index
      %get3A_490 = tpu.vector_load %arg12[%get3A_488, %get3A_489] {strides = array<i32>} : memref<8x2048xf32, #tpu.memory_space<vmem>>, vector<1x16xf32>,
      %get3A_491 = vector.shape_cast %get3A_490 : vector<1x16xf32> to vector<16xf32>
      %mul3A_492 = arith.mulf %get3A_486, %get3A_491 : vector<16xf32>
      %add3A_493 = arith.addf %add3A_391, %mul3A_492 : vector<16xf32>
      %get3A_494 = arith.constant 2 : i32
      %get3A_495 = arith.index_cast %get3A_494 : i32 to index
      %get3A_496 = arith.index_cast %mul3A_469 : i32 to index
      %get3A_497 = tpu.vector_load %arg10[%get3A_495, %get3A_496] {strides = array<i32>} : memref<8x2048xf32, #tpu.memory_space<vmem>>, vector<1x16xf32>,
      %get3A_498 = vector.shape_cast %get3A_497 : vector<1x16xf32> to vector<16xf32>
      %get3A_499 = arith.constant 2 : i32
      %get3A_500 = arith.index_cast %get3A_499 : i32 to index
      %get3A_501 = arith.index_cast %mul3A_469 : i32 to index
      %get3A_502 = tpu.vector_load %arg12[%get3A_500, %get3A_501] {strides = array<i32>} : memref<8x2048xf32, #tpu.memory_space<vmem>>, vector<1x16xf32>,
      %get3A_503 = vector.shape_cast %get3A_502 : vector<1x16xf32> to vector<16xf32>
      %mul3A_504 = arith.mulf %get3A_498, %get3A_503 : vector<16xf32>
      %add3A_505 = arith.addf %add3A_403, %mul3A_504 : vector<16xf32>
      %get3A_506 = arith.constant 3 : i32
      %get3A_507 = arith.index_cast %get3A_506 : i32 to index
      %get3A_508 = arith.index_cast %mul3A_469 : i32 to index
      %get3A_509 = tpu.vector_load %arg10[%get3A_507, %get3A_508] {strides = array<i32>} : memref<8x2048xf32, #tpu.memory_space<vmem>>, vector<1x16xf32>,
      %get3A_510 = vector.shape_cast %get3A_509 : vector<1x16xf32> to vector<16xf32>
      %get3A_511 = arith.constant 3 : i32
      %get3A_512 = arith.index_cast %get3A_511 : i32 to index
      %get3A_513 = arith.index_cast %mul3A_469 : i32 to index
      %get3A_514 = tpu.vector_load %arg12[%get3A_512, %get3A_513] {strides = array<i32>} : memref<8x2048xf32, #tpu.memory_space<vmem>>, vector<1x16xf32>,
      %get3A_515 = vector.shape_cast %get3A_514 : vector<1x16xf32> to vector<16xf32>
      %mul3A_516 = arith.mulf %get3A_510, %get3A_515 : vector<16xf32>
      %add3A_517 = arith.addf %add3A_415, %mul3A_516 : vector<16xf32>
      %get3A_518 = arith.constant 4 : i32
      %get3A_519 = arith.index_cast %get3A_518 : i32 to index
      %get3A_520 = arith.index_cast %mul3A_469 : i32 to index
      %get3A_521 = tpu.vector_load %arg10[%get3A_519, %get3A_520] {strides = array<i32>} : memref<8x2048xf32, #tpu.memory_space<vmem>>, vector<1x16xf32>,
      %get3A_522 = vector.shape_cast %get3A_521 : vector<1x16xf32> to vector<16xf32>
      %get3A_523 = arith.constant 4 : i32
      %get3A_524 = arith.index_cast %get3A_523 : i32 to index
      %get3A_525 = arith.index_cast %mul3A_469 : i32 to index
      %get3A_526 = tpu.vector_load %arg12[%get3A_524, %get3A_525] {strides = array<i32>} : memref<8x2048xf32, #tpu.memory_space<vmem>>, vector<1x16xf32>,
      %get3A_527 = vector.shape_cast %get3A_526 : vector<1x16xf32> to vector<16xf32>
      %mul3A_528 = arith.mulf %get3A_522, %get3A_527 : vector<16xf32>
      %add3A_529 = arith.addf %add3A_427, %mul3A_528 : vector<16xf32>
      %get3A_530 = arith.constant 5 : i32
      %get3A_531 = arith.index_cast %get3A_530 : i32 to index
      %get3A_532 = arith.index_cast %mul3A_469 : i32 to index
      %get3A_533 = tpu.vector_load %arg10[%get3A_531, %get3A_532] {strides = array<i32>} : memref<8x2048xf32, #tpu.memory_space<vmem>>, vector<1x16xf32>,
      %get3A_534 = vector.shape_cast %get3A_533 : vector<1x16xf32> to vector<16xf32>
      %get3A_535 = arith.constant 5 : i32
      %get3A_536 = arith.index_cast %get3A_535 : i32 to index
      %get3A_537 = arith.index_cast %mul3A_469 : i32 to index
      %get3A_538 = tpu.vector_load %arg12[%get3A_536, %get3A_537] {strides = array<i32>} : memref<8x2048xf32, #tpu.memory_space<vmem>>, vector<1x16xf32>,
      %get3A_539 = vector.shape_cast %get3A_538 : vector<1x16xf32> to vector<16xf32>
      %mul3A_540 = arith.mulf %get3A_534, %get3A_539 : vector<16xf32>
      %add3A_541 = arith.addf %add3A_439, %mul3A_540 : vector<16xf32>
      %get3A_542 = arith.constant 6 : i32
      %get3A_543 = arith.index_cast %get3A_542 : i32 to index
      %get3A_544 = arith.index_cast %mul3A_469 : i32 to index
      %get3A_545 = tpu.vector_load %arg10[%get3A_543, %get3A_544] {strides = array<i32>} : memref<8x2048xf32, #tpu.memory_space<vmem>>, vector<1x16xf32>,
      %get3A_546 = vector.shape_cast %get3A_545 : vector<1x16xf32> to vector<16xf32>
      %get3A_547 = arith.constant 6 : i32
      %get3A_548 = arith.index_cast %get3A_547 : i32 to index
      %get3A_549 = arith.index_cast %mul3A_469 : i32 to index
      %get3A_550 = tpu.vector_load %arg12[%get3A_548, %get3A_549] {strides = array<i32>} : memref<8x2048xf32, #tpu.memory_space<vmem>>, vector<1x16xf32>,
      %get3A_551 = vector.shape_cast %get3A_550 : vector<1x16xf32> to vector<16xf32>
      %mul3A_552 = arith.mulf %get3A_546, %get3A_551 : vector<16xf32>
      %add3A_553 = arith.addf %add3A_451, %mul3A_552 : vector<16xf32>
      %get3A_554 = arith.constant 7 : i32
      %get3A_555 = arith.index_cast %get3A_554 : i32 to index
      %get3A_556 = arith.index_cast %mul3A_469 : i32 to index
      %get3A_557 = tpu.vector_load %arg10[%get3A_555, %get3A_556] {strides = array<i32>} : memref<8x2048xf32, #tpu.memory_space<vmem>>, vector<1x16xf32>,
      %get3A_558 = vector.shape_cast %get3A_557 : vector<1x16xf32> to vector<16xf32>
      %get3A_559 = arith.constant 7 : i32
      %get3A_560 = arith.index_cast %get3A_559 : i32 to index
      %get3A_561 = arith.index_cast %mul3A_469 : i32 to index
      %get3A_562 = tpu.vector_load %arg12[%get3A_560, %get3A_561] {strides = array<i32>} : memref<8x2048xf32, #tpu.memory_space<vmem>>, vector<1x16xf32>,
      %get3A_563 = vector.shape_cast %get3A_562 : vector<1x16xf32> to vector<16xf32>
      %mul3A_564 = arith.mulf %get3A_558, %get3A_563 : vector<16xf32>
      %add3A_565 = arith.addf %add3A_463, %mul3A_564 : vector<16xf32>
      scf.yield %add3A_481, %add3A_493, %add3A_505, %add3A_517, %add3A_529, %add3A_541, %add3A_553, %add3A_565 : vector<16xf32>, vector<16xf32>, vector<16xf32>, vector<16xf32>, vector<16xf32>, vector<16xf32>, vector<16xf32>, vector<16xf32>
    }
    %scan3A_29 = arith.constant 32 : i32
    %swap3A = arith.constant 0 : i32
    %swap3A_30 = arith.index_cast %swap3A : i32 to index
    %swap3A_31 = arith.constant 0 : index
    %swap3A_32 = tpu.vector_load %arg14[%swap3A_30, %swap3A_31] {strides = array<i32>} : memref<8x16xf32, #tpu.memory_space<vmem>>, vector<1x16xf32>,
    %swap3A_33 = vector.shape_cast %swap3A_32 : vector<1x16xf32> to vector<16xf32>
    %swap3A_34 = vector.shape_cast %scan3A_28#0 : vector<16xf32> to vector<1x16xf32>
    tpu.vector_store %arg14[%swap3A_30, %swap3A_31], %swap3A_34 {strides = array<i32>} : memref<8x16xf32, #tpu.memory_space<vmem>>, vector<1x16xf32>,
    %swap3A_35 = arith.constant 1 : i32
    %swap3A_36 = arith.index_cast %swap3A_35 : i32 to index
    %swap3A_37 = arith.constant 0 : index
    %swap3A_38 = tpu.vector_load %arg14[%swap3A_36, %swap3A_37] {strides = array<i32>} : memref<8x16xf32, #tpu.memory_space<vmem>>, vector<1x16xf32>,
    %swap3A_39 = vector.shape_cast %swap3A_38 : vector<1x16xf32> to vector<16xf32>
    %swap3A_40 = vector.shape_cast %scan3A_28#1 : vector<16xf32> to vector<1x16xf32>
    tpu.vector_store %arg14[%swap3A_36, %swap3A_37], %swap3A_40 {strides = array<i32>} : memref<8x16xf32, #tpu.memory_space<vmem>>, vector<1x16xf32>,
    %swap3A_41 = arith.constant 2 : i32
    %swap3A_42 = arith.index_cast %swap3A_41 : i32 to index
    %swap3A_43 = arith.constant 0 : index
    %swap3A_44 = tpu.vector_load %arg14[%swap3A_42, %swap3A_43] {strides = array<i32>} : memref<8x16xf32, #tpu.memory_space<vmem>>, vector<1x16xf32>,
    %swap3A_45 = vector.shape_cast %swap3A_44 : vector<1x16xf32> to vector<16xf32>
    %swap3A_46 = vector.shape_cast %scan3A_28#2 : vector<16xf32> to vector<1x16xf32>
    tpu.vector_store %arg14[%swap3A_42, %swap3A_43], %swap3A_46 {strides = array<i32>} : memref<8x16xf32, #tpu.memory_space<vmem>>, vector<1x16xf32>,
    %swap3A_47 = arith.constant 3 : i32
    %swap3A_48 = arith.index_cast %swap3A_47 : i32 to index
    %swap3A_49 = arith.constant 0 : index
    %swap3A_50 = tpu.vector_load %arg14[%swap3A_48, %swap3A_49] {strides = array<i32>} : memref<8x16xf32, #tpu.memory_space<vmem>>, vector<1x16xf32>,
    %swap3A_51 = vector.shape_cast %swap3A_50 : vector<1x16xf32> to vector<16xf32>
    %swap3A_52 = vector.shape_cast %scan3A_28#3 : vector<16xf32> to vector<1x16xf32>
    tpu.vector_store %arg14[%swap3A_48, %swap3A_49], %swap3A_52 {strides = array<i32>} : memref<8x16xf32, #tpu.memory_space<vmem>>, vector<1x16xf32>,
    %swap3A_53 = arith.constant 4 : i32
    %swap3A_54 = arith.index_cast %swap3A_53 : i32 to index
    %swap3A_55 = arith.constant 0 : index
    %swap3A_56 = tpu.vector_load %arg14[%swap3A_54, %swap3A_55] {strides = array<i32>} : memref<8x16xf32, #tpu.memory_space<vmem>>, vector<1x16xf32>,
    %swap3A_57 = vector.shape_cast %swap3A_56 : vector<1x16xf32> to vector<16xf32>
    %swap3A_58 = vector.shape_cast %scan3A_28#4 : vector<16xf32> to vector<1x16xf32>
    tpu.vector_store %arg14[%swap3A_54, %swap3A_55], %swap3A_58 {strides = array<i32>} : memref<8x16xf32, #tpu.memory_space<vmem>>, vector<1x16xf32>,
    %swap3A_59 = arith.constant 5 : i32
    %swap3A_60 = arith.index_cast %swap3A_59 : i32 to index
    %swap3A_61 = arith.constant 0 : index
    %swap3A_62 = tpu.vector_load %arg14[%swap3A_60, %swap3A_61] {strides = array<i32>} : memref<8x16xf32, #tpu.memory_space<vmem>>, vector<1x16xf32>,
    %swap3A_63 = vector.shape_cast %swap3A_62 : vector<1x16xf32> to vector<16xf32>
    %swap3A_64 = vector.shape_cast %scan3A_28#5 : vector<16xf32> to vector<1x16xf32>
    tpu.vector_store %arg14[%swap3A_60, %swap3A_61], %swap3A_64 {strides = array<i32>} : memref<8x16xf32, #tpu.memory_space<vmem>>, vector<1x16xf32>,
    %swap3A_65 = arith.constant 6 : i32
    %swap3A_66 = arith.index_cast %swap3A_65 : i32 to index
    %swap3A_67 = arith.constant 0 : index
    %swap3A_68 = tpu.vector_load %arg14[%swap3A_66, %swap3A_67] {strides = array<i32>} : memref<8x16xf32, #tpu.memory_space<vmem>>, vector<1x16xf32>,
    %swap3A_69 = vector.shape_cast %swap3A_68 : vector<1x16xf32> to vector<16xf32>
    %swap3A_70 = vector.shape_cast %scan3A_28#6 : vector<16xf32> to vector<1x16xf32>
    tpu.vector_store %arg14[%swap3A_66, %swap3A_67], %swap3A_70 {strides = array<i32>} : memref<8x16xf32, #tpu.memory_space<vmem>>, vector<1x16xf32>,
    %swap3A_71 = arith.constant 7 : i32
    %swap3A_72 = arith.index_cast %swap3A_71 : i32 to index
    %swap3A_73 = arith.constant 0 : index
    %swap3A_74 = tpu.vector_load %arg14[%swap3A_72, %swap3A_73] {strides = array<i32>} : memref<8x16xf32, #tpu.memory_space<vmem>>, vector<1x16xf32>,
    %swap3A_75 = vector.shape_cast %swap3A_74 : vector<1x16xf32> to vector<16xf32>
    %swap3A_76 = vector.shape_cast %scan3A_28#7 : vector<16xf32> to vector<1x16xf32>
    tpu.vector_store %arg14[%swap3A_72, %swap3A_73], %swap3A_76 {strides = array<i32>} : memref<8x16xf32, #tpu.memory_space<vmem>>, vector<1x16xf32>,
    "tpu.region"() ({
      %run_scoped3A = tpu.sem_alloc : memref<!tpu.dma_semaphore, #tpu.memory_space<semaphore_mem>>
      %dma_start3A_150 = arith.constant 0 : i32
      %dma_start3A_151 = tpu.memref_slice %arg7[%mul3A_2, %dma_start3A_150] : memref<256x16xf32, #tpu.memory_space<hbm>> -> memref<8x16xf32, #tpu.memory_space<hbm>>
      %dma_start3A_152 = arith.constant 0 : i32
      %dma_start3A_153 = tpu.memref_slice %arg7[%mul3A_2, %dma_start3A_152] : memref<256x16xf32, #tpu.memory_space<hbm>> -> memref<8x16xf32, #tpu.memory_space<hbm>>
      tpu.enqueue_dma source(%arg14 : memref<8x16xf32, #tpu.memory_space<vmem>>) target(%dma_start3A_153 : memref<8x16xf32, #tpu.memory_space<hbm>>) target_semaphore(%run_scoped3A : memref<!tpu.dma_semaphore, #tpu.memory_space<semaphore_mem>>)
      %dma_wait3A_154 = arith.constant 0 : i32
      %dma_wait3A_155 = tpu.memref_slice %arg7[%mul3A_2, %dma_wait3A_154] : memref<256x16xf32, #tpu.memory_space<hbm>> -> memref<8x16xf32, #tpu.memory_space<hbm>>
      %dma_wait3A_156 = arith.constant 0 : i32
      %dma_wait3A_157 = tpu.memref_slice %arg7[%mul3A_2, %dma_wait3A_156] : memref<256x16xf32, #tpu.memory_space<hbm>> -> memref<8x16xf32, #tpu.memory_space<hbm>>
      tpu.wait_dma2 semaphore(%run_scoped3A : memref<!tpu.dma_semaphore, #tpu.memory_space<semaphore_mem>>) src(%arg14 : memref<8x16xf32, #tpu.memory_space<vmem>>) dst(%dma_wait3A_157 : memref<8x16xf32, #tpu.memory_space<hbm>>)
      tpu.yield
    }) : () -> ()
    %dma_wait3A_77 = arith.constant 0 : i32
    %dma_wait3A_78 = arith.constant 0 : i32
    %dma_wait3A_79 = tpu.memref_slice %arg6[%dma_wait3A_77, %dma_wait3A_78] : memref<15080x2048xf32, #tpu.memory_space<hbm>> -> memref<15080x2048xf32, #tpu.memory_space<hbm>>
    tpu.wait_indirect_dma semaphore(%arg16 : memref<!tpu.dma_semaphore, #tpu.memory_space<semaphore_mem>>) src(%dma_wait3A_79 : memref<15080x2048xf32, #tpu.memory_space<hbm>>) dst(%arg11 : memref<8x2048xf32, #tpu.memory_space<vmem>>)
    %broadcast_in_dim3A_80 = arith.constant 0.000000e+00 : f32
    %broadcast_in_dim3A_81 = vector.broadcast %broadcast_in_dim3A_80 : f32 to vector<16xf32>
    %broadcast_in_dim3A_82 = arith.constant 0.000000e+00 : f32
    %broadcast_in_dim3A_83 = vector.broadcast %broadcast_in_dim3A_82 : f32 to vector<16xf32>
    %broadcast_in_dim3A_84 = arith.constant 0.000000e+00 : f32
    %broadcast_in_dim3A_85 = vector.broadcast %broadcast_in_dim3A_84 : f32 to vector<16xf32>
    %broadcast_in_dim3A_86 = arith.constant 0.000000e+00 : f32
    %broadcast_in_dim3A_87 = vector.broadcast %broadcast_in_dim3A_86 : f32 to vector<16xf32>
    %broadcast_in_dim3A_88 = arith.constant 0.000000e+00 : f32
    %broadcast_in_dim3A_89 = vector.broadcast %broadcast_in_dim3A_88 : f32 to vector<16xf32>
    %broadcast_in_dim3A_90 = arith.constant 0.000000e+00 : f32
    %broadcast_in_dim3A_91 = vector.broadcast %broadcast_in_dim3A_90 : f32 to vector<16xf32>
    %broadcast_in_dim3A_92 = arith.constant 0.000000e+00 : f32
    %broadcast_in_dim3A_93 = vector.broadcast %broadcast_in_dim3A_92 : f32 to vector<16xf32>
    %broadcast_in_dim3A_94 = arith.constant 0.000000e+00 : f32
    %broadcast_in_dim3A_95 = vector.broadcast %broadcast_in_dim3A_94 : f32 to vector<16xf32>
    %scan3A_96 = arith.constant 0 : i32
    %scan3A_97 = arith.constant 32 : i32
    %scan3A_98 = arith.addi %scan3A_96, %scan3A_97 : i32
    %scan3A_99 = arith.constant 1 : i32
    %scan3A_100:8 = scf.for %scan3A_150 = %scan3A_96 to %scan3A_98 step %scan3A_99 iter_args(%scan3A_151 = %broadcast_in_dim3A_81, %scan3A_152 = %broadcast_in_dim3A_83, %scan3A_153 = %broadcast_in_dim3A_85, %scan3A_154 = %broadcast_in_dim3A_87, %scan3A_155 = %broadcast_in_dim3A_89, %scan3A_156 = %broadcast_in_dim3A_91, %scan3A_157 = %broadcast_in_dim3A_93, %scan3A_158 = %broadcast_in_dim3A_95) -> (vector<16xf32>, vector<16xf32>, vector<16xf32>, vector<16xf32>, vector<16xf32>, vector<16xf32>, vector<16xf32>, vector<16xf32>)  : i32 {
      %mul3A_159 = arith.constant 4 : i32
      %mul3A_160 = arith.muli %scan3A_150, %mul3A_159 : i32
      %add3A_161 = arith.constant 0 : i32
      %add3A_162 = arith.addi %mul3A_160, %add3A_161 : i32
      %mul3A_163 = arith.constant 16 : i32
      %mul3A_164 = arith.muli %add3A_162, %mul3A_163 : i32
      %get3A = arith.constant 0 : i32
      %get3A_165 = arith.index_cast %get3A : i32 to index
      %get3A_166 = arith.index_cast %mul3A_164 : i32 to index
      %get3A_167 = tpu.vector_load %arg11[%get3A_165, %get3A_166] {strides = array<i32>} : memref<8x2048xf32, #tpu.memory_space<vmem>>, vector<1x16xf32>,
      %get3A_168 = vector.shape_cast %get3A_167 : vector<1x16xf32> to vector<16xf32>
      %get3A_169 = arith.constant 0 : i32
      %get3A_170 = arith.index_cast %get3A_169 : i32 to index
      %get3A_171 = arith.index_cast %mul3A_164 : i32 to index
      %get3A_172 = tpu.vector_load %arg13[%get3A_170, %get3A_171] {strides = array<i32>} : memref<8x2048xf32, #tpu.memory_space<vmem>>, vector<1x16xf32>,
      %get3A_173 = vector.shape_cast %get3A_172 : vector<1x16xf32> to vector<16xf32>
      %mul3A_174 = arith.mulf %get3A_168, %get3A_173 : vector<16xf32>
      %add3A_175 = arith.addf %scan3A_151, %mul3A_174 : vector<16xf32>
      %get3A_176 = arith.constant 1 : i32
      %get3A_177 = arith.index_cast %get3A_176 : i32 to index
      %get3A_178 = arith.index_cast %mul3A_164 : i32 to index
      %get3A_179 = tpu.vector_load %arg11[%get3A_177, %get3A_178] {strides = array<i32>} : memref<8x2048xf32, #tpu.memory_space<vmem>>, vector<1x16xf32>,
      %get3A_180 = vector.shape_cast %get3A_179 : vector<1x16xf32> to vector<16xf32>
      %get3A_181 = arith.constant 1 : i32
      %get3A_182 = arith.index_cast %get3A_181 : i32 to index
      %get3A_183 = arith.index_cast %mul3A_164 : i32 to index
      %get3A_184 = tpu.vector_load %arg13[%get3A_182, %get3A_183] {strides = array<i32>} : memref<8x2048xf32, #tpu.memory_space<vmem>>, vector<1x16xf32>,
      %get3A_185 = vector.shape_cast %get3A_184 : vector<1x16xf32> to vector<16xf32>
      %mul3A_186 = arith.mulf %get3A_180, %get3A_185 : vector<16xf32>
      %add3A_187 = arith.addf %scan3A_152, %mul3A_186 : vector<16xf32>
      %get3A_188 = arith.constant 2 : i32
      %get3A_189 = arith.index_cast %get3A_188 : i32 to index
      %get3A_190 = arith.index_cast %mul3A_164 : i32 to index
      %get3A_191 = tpu.vector_load %arg11[%get3A_189, %get3A_190] {strides = array<i32>} : memref<8x2048xf32, #tpu.memory_space<vmem>>, vector<1x16xf32>,
      %get3A_192 = vector.shape_cast %get3A_191 : vector<1x16xf32> to vector<16xf32>
      %get3A_193 = arith.constant 2 : i32
      %get3A_194 = arith.index_cast %get3A_193 : i32 to index
      %get3A_195 = arith.index_cast %mul3A_164 : i32 to index
      %get3A_196 = tpu.vector_load %arg13[%get3A_194, %get3A_195] {strides = array<i32>} : memref<8x2048xf32, #tpu.memory_space<vmem>>, vector<1x16xf32>,
      %get3A_197 = vector.shape_cast %get3A_196 : vector<1x16xf32> to vector<16xf32>
      %mul3A_198 = arith.mulf %get3A_192, %get3A_197 : vector<16xf32>
      %add3A_199 = arith.addf %scan3A_153, %mul3A_198 : vector<16xf32>
      %get3A_200 = arith.constant 3 : i32
      %get3A_201 = arith.index_cast %get3A_200 : i32 to index
      %get3A_202 = arith.index_cast %mul3A_164 : i32 to index
      %get3A_203 = tpu.vector_load %arg11[%get3A_201, %get3A_202] {strides = array<i32>} : memref<8x2048xf32, #tpu.memory_space<vmem>>, vector<1x16xf32>,
      %get3A_204 = vector.shape_cast %get3A_203 : vector<1x16xf32> to vector<16xf32>
      %get3A_205 = arith.constant 3 : i32
      %get3A_206 = arith.index_cast %get3A_205 : i32 to index
      %get3A_207 = arith.index_cast %mul3A_164 : i32 to index
      %get3A_208 = tpu.vector_load %arg13[%get3A_206, %get3A_207] {strides = array<i32>} : memref<8x2048xf32, #tpu.memory_space<vmem>>, vector<1x16xf32>,
      %get3A_209 = vector.shape_cast %get3A_208 : vector<1x16xf32> to vector<16xf32>
      %mul3A_210 = arith.mulf %get3A_204, %get3A_209 : vector<16xf32>
      %add3A_211 = arith.addf %scan3A_154, %mul3A_210 : vector<16xf32>
      %get3A_212 = arith.constant 4 : i32
      %get3A_213 = arith.index_cast %get3A_212 : i32 to index
      %get3A_214 = arith.index_cast %mul3A_164 : i32 to index
      %get3A_215 = tpu.vector_load %arg11[%get3A_213, %get3A_214] {strides = array<i32>} : memref<8x2048xf32, #tpu.memory_space<vmem>>, vector<1x16xf32>,
      %get3A_216 = vector.shape_cast %get3A_215 : vector<1x16xf32> to vector<16xf32>
      %get3A_217 = arith.constant 4 : i32
      %get3A_218 = arith.index_cast %get3A_217 : i32 to index
      %get3A_219 = arith.index_cast %mul3A_164 : i32 to index
      %get3A_220 = tpu.vector_load %arg13[%get3A_218, %get3A_219] {strides = array<i32>} : memref<8x2048xf32, #tpu.memory_space<vmem>>, vector<1x16xf32>,
      %get3A_221 = vector.shape_cast %get3A_220 : vector<1x16xf32> to vector<16xf32>
      %mul3A_222 = arith.mulf %get3A_216, %get3A_221 : vector<16xf32>
      %add3A_223 = arith.addf %scan3A_155, %mul3A_222 : vector<16xf32>
      %get3A_224 = arith.constant 5 : i32
      %get3A_225 = arith.index_cast %get3A_224 : i32 to index
      %get3A_226 = arith.index_cast %mul3A_164 : i32 to index
      %get3A_227 = tpu.vector_load %arg11[%get3A_225, %get3A_226] {strides = array<i32>} : memref<8x2048xf32, #tpu.memory_space<vmem>>, vector<1x16xf32>,
      %get3A_228 = vector.shape_cast %get3A_227 : vector<1x16xf32> to vector<16xf32>
      %get3A_229 = arith.constant 5 : i32
      %get3A_230 = arith.index_cast %get3A_229 : i32 to index
      %get3A_231 = arith.index_cast %mul3A_164 : i32 to index
      %get3A_232 = tpu.vector_load %arg13[%get3A_230, %get3A_231] {strides = array<i32>} : memref<8x2048xf32, #tpu.memory_space<vmem>>, vector<1x16xf32>,
      %get3A_233 = vector.shape_cast %get3A_232 : vector<1x16xf32> to vector<16xf32>
      %mul3A_234 = arith.mulf %get3A_228, %get3A_233 : vector<16xf32>
      %add3A_235 = arith.addf %scan3A_156, %mul3A_234 : vector<16xf32>
      %get3A_236 = arith.constant 6 : i32
      %get3A_237 = arith.index_cast %get3A_236 : i32 to index
      %get3A_238 = arith.index_cast %mul3A_164 : i32 to index
      %get3A_239 = tpu.vector_load %arg11[%get3A_237, %get3A_238] {strides = array<i32>} : memref<8x2048xf32, #tpu.memory_space<vmem>>, vector<1x16xf32>,
      %get3A_240 = vector.shape_cast %get3A_239 : vector<1x16xf32> to vector<16xf32>
      %get3A_241 = arith.constant 6 : i32
      %get3A_242 = arith.index_cast %get3A_241 : i32 to index
      %get3A_243 = arith.index_cast %mul3A_164 : i32 to index
      %get3A_244 = tpu.vector_load %arg13[%get3A_242, %get3A_243] {strides = array<i32>} : memref<8x2048xf32, #tpu.memory_space<vmem>>, vector<1x16xf32>,
      %get3A_245 = vector.shape_cast %get3A_244 : vector<1x16xf32> to vector<16xf32>
      %mul3A_246 = arith.mulf %get3A_240, %get3A_245 : vector<16xf32>
      %add3A_247 = arith.addf %scan3A_157, %mul3A_246 : vector<16xf32>
      %get3A_248 = arith.constant 7 : i32
      %get3A_249 = arith.index_cast %get3A_248 : i32 to index
      %get3A_250 = arith.index_cast %mul3A_164 : i32 to index
      %get3A_251 = tpu.vector_load %arg11[%get3A_249, %get3A_250] {strides = array<i32>} : memref<8x2048xf32, #tpu.memory_space<vmem>>, vector<1x16xf32>,
      %get3A_252 = vector.shape_cast %get3A_251 : vector<1x16xf32> to vector<16xf32>
      %get3A_253 = arith.constant 7 : i32
      %get3A_254 = arith.index_cast %get3A_253 : i32 to index
      %get3A_255 = arith.index_cast %mul3A_164 : i32 to index
      %get3A_256 = tpu.vector_load %arg13[%get3A_254, %get3A_255] {strides = array<i32>} : memref<8x2048xf32, #tpu.memory_space<vmem>>, vector<1x16xf32>,
      %get3A_257 = vector.shape_cast %get3A_256 : vector<1x16xf32> to vector<16xf32>
      %mul3A_258 = arith.mulf %get3A_252, %get3A_257 : vector<16xf32>
      %add3A_259 = arith.addf %scan3A_158, %mul3A_258 : vector<16xf32>
      %mul3A_260 = arith.constant 4 : i32
      %mul3A_261 = arith.muli %scan3A_150, %mul3A_260 : i32
      %add3A_262 = arith.constant 1 : i32
      %add3A_263 = arith.addi %mul3A_261, %add3A_262 : i32
      %mul3A_264 = arith.constant 16 : i32
      %mul3A_265 = arith.muli %add3A_263, %mul3A_264 : i32
      %get3A_266 = arith.constant 0 : i32
      %get3A_267 = arith.index_cast %get3A_266 : i32 to index
      %get3A_268 = arith.index_cast %mul3A_265 : i32 to index
      %get3A_269 = tpu.vector_load %arg11[%get3A_267, %get3A_268] {strides = array<i32>} : memref<8x2048xf32, #tpu.memory_space<vmem>>, vector<1x16xf32>,
      %get3A_270 = vector.shape_cast %get3A_269 : vector<1x16xf32> to vector<16xf32>
      %get3A_271 = arith.constant 0 : i32
      %get3A_272 = arith.index_cast %get3A_271 : i32 to index
      %get3A_273 = arith.index_cast %mul3A_265 : i32 to index
      %get3A_274 = tpu.vector_load %arg13[%get3A_272, %get3A_273] {strides = array<i32>} : memref<8x2048xf32, #tpu.memory_space<vmem>>, vector<1x16xf32>,
      %get3A_275 = vector.shape_cast %get3A_274 : vector<1x16xf32> to vector<16xf32>
      %mul3A_276 = arith.mulf %get3A_270, %get3A_275 : vector<16xf32>
      %add3A_277 = arith.addf %add3A_175, %mul3A_276 : vector<16xf32>
      %get3A_278 = arith.constant 1 : i32
      %get3A_279 = arith.index_cast %get3A_278 : i32 to index
      %get3A_280 = arith.index_cast %mul3A_265 : i32 to index
      %get3A_281 = tpu.vector_load %arg11[%get3A_279, %get3A_280] {strides = array<i32>} : memref<8x2048xf32, #tpu.memory_space<vmem>>, vector<1x16xf32>,
      %get3A_282 = vector.shape_cast %get3A_281 : vector<1x16xf32> to vector<16xf32>
      %get3A_283 = arith.constant 1 : i32
      %get3A_284 = arith.index_cast %get3A_283 : i32 to index
      %get3A_285 = arith.index_cast %mul3A_265 : i32 to index
      %get3A_286 = tpu.vector_load %arg13[%get3A_284, %get3A_285] {strides = array<i32>} : memref<8x2048xf32, #tpu.memory_space<vmem>>, vector<1x16xf32>,
      %get3A_287 = vector.shape_cast %get3A_286 : vector<1x16xf32> to vector<16xf32>
      %mul3A_288 = arith.mulf %get3A_282, %get3A_287 : vector<16xf32>
      %add3A_289 = arith.addf %add3A_187, %mul3A_288 : vector<16xf32>
      %get3A_290 = arith.constant 2 : i32
      %get3A_291 = arith.index_cast %get3A_290 : i32 to index
      %get3A_292 = arith.index_cast %mul3A_265 : i32 to index
      %get3A_293 = tpu.vector_load %arg11[%get3A_291, %get3A_292] {strides = array<i32>} : memref<8x2048xf32, #tpu.memory_space<vmem>>, vector<1x16xf32>,
      %get3A_294 = vector.shape_cast %get3A_293 : vector<1x16xf32> to vector<16xf32>
      %get3A_295 = arith.constant 2 : i32
      %get3A_296 = arith.index_cast %get3A_295 : i32 to index
      %get3A_297 = arith.index_cast %mul3A_265 : i32 to index
      %get3A_298 = tpu.vector_load %arg13[%get3A_296, %get3A_297] {strides = array<i32>} : memref<8x2048xf32, #tpu.memory_space<vmem>>, vector<1x16xf32>,
      %get3A_299 = vector.shape_cast %get3A_298 : vector<1x16xf32> to vector<16xf32>
      %mul3A_300 = arith.mulf %get3A_294, %get3A_299 : vector<16xf32>
      %add3A_301 = arith.addf %add3A_199, %mul3A_300 : vector<16xf32>
      %get3A_302 = arith.constant 3 : i32
      %get3A_303 = arith.index_cast %get3A_302 : i32 to index
      %get3A_304 = arith.index_cast %mul3A_265 : i32 to index
      %get3A_305 = tpu.vector_load %arg11[%get3A_303, %get3A_304] {strides = array<i32>} : memref<8x2048xf32, #tpu.memory_space<vmem>>, vector<1x16xf32>,
      %get3A_306 = vector.shape_cast %get3A_305 : vector<1x16xf32> to vector<16xf32>
      %get3A_307 = arith.constant 3 : i32
      %get3A_308 = arith.index_cast %get3A_307 : i32 to index
      %get3A_309 = arith.index_cast %mul3A_265 : i32 to index
      %get3A_310 = tpu.vector_load %arg13[%get3A_308, %get3A_309] {strides = array<i32>} : memref<8x2048xf32, #tpu.memory_space<vmem>>, vector<1x16xf32>,
      %get3A_311 = vector.shape_cast %get3A_310 : vector<1x16xf32> to vector<16xf32>
      %mul3A_312 = arith.mulf %get3A_306, %get3A_311 : vector<16xf32>
      %add3A_313 = arith.addf %add3A_211, %mul3A_312 : vector<16xf32>
      %get3A_314 = arith.constant 4 : i32
      %get3A_315 = arith.index_cast %get3A_314 : i32 to index
      %get3A_316 = arith.index_cast %mul3A_265 : i32 to index
      %get3A_317 = tpu.vector_load %arg11[%get3A_315, %get3A_316] {strides = array<i32>} : memref<8x2048xf32, #tpu.memory_space<vmem>>, vector<1x16xf32>,
      %get3A_318 = vector.shape_cast %get3A_317 : vector<1x16xf32> to vector<16xf32>
      %get3A_319 = arith.constant 4 : i32
      %get3A_320 = arith.index_cast %get3A_319 : i32 to index
      %get3A_321 = arith.index_cast %mul3A_265 : i32 to index
      %get3A_322 = tpu.vector_load %arg13[%get3A_320, %get3A_321] {strides = array<i32>} : memref<8x2048xf32, #tpu.memory_space<vmem>>, vector<1x16xf32>,
      %get3A_323 = vector.shape_cast %get3A_322 : vector<1x16xf32> to vector<16xf32>
      %mul3A_324 = arith.mulf %get3A_318, %get3A_323 : vector<16xf32>
      %add3A_325 = arith.addf %add3A_223, %mul3A_324 : vector<16xf32>
      %get3A_326 = arith.constant 5 : i32
      %get3A_327 = arith.index_cast %get3A_326 : i32 to index
      %get3A_328 = arith.index_cast %mul3A_265 : i32 to index
      %get3A_329 = tpu.vector_load %arg11[%get3A_327, %get3A_328] {strides = array<i32>} : memref<8x2048xf32, #tpu.memory_space<vmem>>, vector<1x16xf32>,
      %get3A_330 = vector.shape_cast %get3A_329 : vector<1x16xf32> to vector<16xf32>
      %get3A_331 = arith.constant 5 : i32
      %get3A_332 = arith.index_cast %get3A_331 : i32 to index
      %get3A_333 = arith.index_cast %mul3A_265 : i32 to index
      %get3A_334 = tpu.vector_load %arg13[%get3A_332, %get3A_333] {strides = array<i32>} : memref<8x2048xf32, #tpu.memory_space<vmem>>, vector<1x16xf32>,
      %get3A_335 = vector.shape_cast %get3A_334 : vector<1x16xf32> to vector<16xf32>
      %mul3A_336 = arith.mulf %get3A_330, %get3A_335 : vector<16xf32>
      %add3A_337 = arith.addf %add3A_235, %mul3A_336 : vector<16xf32>
      %get3A_338 = arith.constant 6 : i32
      %get3A_339 = arith.index_cast %get3A_338 : i32 to index
      %get3A_340 = arith.index_cast %mul3A_265 : i32 to index
      %get3A_341 = tpu.vector_load %arg11[%get3A_339, %get3A_340] {strides = array<i32>} : memref<8x2048xf32, #tpu.memory_space<vmem>>, vector<1x16xf32>,
      %get3A_342 = vector.shape_cast %get3A_341 : vector<1x16xf32> to vector<16xf32>
      %get3A_343 = arith.constant 6 : i32
      %get3A_344 = arith.index_cast %get3A_343 : i32 to index
      %get3A_345 = arith.index_cast %mul3A_265 : i32 to index
      %get3A_346 = tpu.vector_load %arg13[%get3A_344, %get3A_345] {strides = array<i32>} : memref<8x2048xf32, #tpu.memory_space<vmem>>, vector<1x16xf32>,
      %get3A_347 = vector.shape_cast %get3A_346 : vector<1x16xf32> to vector<16xf32>
      %mul3A_348 = arith.mulf %get3A_342, %get3A_347 : vector<16xf32>
      %add3A_349 = arith.addf %add3A_247, %mul3A_348 : vector<16xf32>
      %get3A_350 = arith.constant 7 : i32
      %get3A_351 = arith.index_cast %get3A_350 : i32 to index
      %get3A_352 = arith.index_cast %mul3A_265 : i32 to index
      %get3A_353 = tpu.vector_load %arg11[%get3A_351, %get3A_352] {strides = array<i32>} : memref<8x2048xf32, #tpu.memory_space<vmem>>, vector<1x16xf32>,
      %get3A_354 = vector.shape_cast %get3A_353 : vector<1x16xf32> to vector<16xf32>
      %get3A_355 = arith.constant 7 : i32
      %get3A_356 = arith.index_cast %get3A_355 : i32 to index
      %get3A_357 = arith.index_cast %mul3A_265 : i32 to index
      %get3A_358 = tpu.vector_load %arg13[%get3A_356, %get3A_357] {strides = array<i32>} : memref<8x2048xf32, #tpu.memory_space<vmem>>, vector<1x16xf32>,
      %get3A_359 = vector.shape_cast %get3A_358 : vector<1x16xf32> to vector<16xf32>
      %mul3A_360 = arith.mulf %get3A_354, %get3A_359 : vector<16xf32>
      %add3A_361 = arith.addf %add3A_259, %mul3A_360 : vector<16xf32>
      %mul3A_362 = arith.constant 4 : i32
      %mul3A_363 = arith.muli %scan3A_150, %mul3A_362 : i32
      %add3A_364 = arith.constant 2 : i32
      %add3A_365 = arith.addi %mul3A_363, %add3A_364 : i32
      %mul3A_366 = arith.constant 16 : i32
      %mul3A_367 = arith.muli %add3A_365, %mul3A_366 : i32
      %get3A_368 = arith.constant 0 : i32
      %get3A_369 = arith.index_cast %get3A_368 : i32 to index
      %get3A_370 = arith.index_cast %mul3A_367 : i32 to index
      %get3A_371 = tpu.vector_load %arg11[%get3A_369, %get3A_370] {strides = array<i32>} : memref<8x2048xf32, #tpu.memory_space<vmem>>, vector<1x16xf32>,
      %get3A_372 = vector.shape_cast %get3A_371 : vector<1x16xf32> to vector<16xf32>
      %get3A_373 = arith.constant 0 : i32
      %get3A_374 = arith.index_cast %get3A_373 : i32 to index
      %get3A_375 = arith.index_cast %mul3A_367 : i32 to index
      %get3A_376 = tpu.vector_load %arg13[%get3A_374, %get3A_375] {strides = array<i32>} : memref<8x2048xf32, #tpu.memory_space<vmem>>, vector<1x16xf32>,
      %get3A_377 = vector.shape_cast %get3A_376 : vector<1x16xf32> to vector<16xf32>
      %mul3A_378 = arith.mulf %get3A_372, %get3A_377 : vector<16xf32>
      %add3A_379 = arith.addf %add3A_277, %mul3A_378 : vector<16xf32>
      %get3A_380 = arith.constant 1 : i32
      %get3A_381 = arith.index_cast %get3A_380 : i32 to index
      %get3A_382 = arith.index_cast %mul3A_367 : i32 to index
      %get3A_383 = tpu.vector_load %arg11[%get3A_381, %get3A_382] {strides = array<i32>} : memref<8x2048xf32, #tpu.memory_space<vmem>>, vector<1x16xf32>,
      %get3A_384 = vector.shape_cast %get3A_383 : vector<1x16xf32> to vector<16xf32>
      %get3A_385 = arith.constant 1 : i32
      %get3A_386 = arith.index_cast %get3A_385 : i32 to index
      %get3A_387 = arith.index_cast %mul3A_367 : i32 to index
      %get3A_388 = tpu.vector_load %arg13[%get3A_386, %get3A_387] {strides = array<i32>} : memref<8x2048xf32, #tpu.memory_space<vmem>>, vector<1x16xf32>,
      %get3A_389 = vector.shape_cast %get3A_388 : vector<1x16xf32> to vector<16xf32>
      %mul3A_390 = arith.mulf %get3A_384, %get3A_389 : vector<16xf32>
      %add3A_391 = arith.addf %add3A_289, %mul3A_390 : vector<16xf32>
      %get3A_392 = arith.constant 2 : i32
      %get3A_393 = arith.index_cast %get3A_392 : i32 to index
      %get3A_394 = arith.index_cast %mul3A_367 : i32 to index
      %get3A_395 = tpu.vector_load %arg11[%get3A_393, %get3A_394] {strides = array<i32>} : memref<8x2048xf32, #tpu.memory_space<vmem>>, vector<1x16xf32>,
      %get3A_396 = vector.shape_cast %get3A_395 : vector<1x16xf32> to vector<16xf32>
      %get3A_397 = arith.constant 2 : i32
      %get3A_398 = arith.index_cast %get3A_397 : i32 to index
      %get3A_399 = arith.index_cast %mul3A_367 : i32 to index
      %get3A_400 = tpu.vector_load %arg13[%get3A_398, %get3A_399] {strides = array<i32>} : memref<8x2048xf32, #tpu.memory_space<vmem>>, vector<1x16xf32>,
      %get3A_401 = vector.shape_cast %get3A_400 : vector<1x16xf32> to vector<16xf32>
      %mul3A_402 = arith.mulf %get3A_396, %get3A_401 : vector<16xf32>
      %add3A_403 = arith.addf %add3A_301, %mul3A_402 : vector<16xf32>
      %get3A_404 = arith.constant 3 : i32
      %get3A_405 = arith.index_cast %get3A_404 : i32 to index
      %get3A_406 = arith.index_cast %mul3A_367 : i32 to index
      %get3A_407 = tpu.vector_load %arg11[%get3A_405, %get3A_406] {strides = array<i32>} : memref<8x2048xf32, #tpu.memory_space<vmem>>, vector<1x16xf32>,
      %get3A_408 = vector.shape_cast %get3A_407 : vector<1x16xf32> to vector<16xf32>
      %get3A_409 = arith.constant 3 : i32
      %get3A_410 = arith.index_cast %get3A_409 : i32 to index
      %get3A_411 = arith.index_cast %mul3A_367 : i32 to index
      %get3A_412 = tpu.vector_load %arg13[%get3A_410, %get3A_411] {strides = array<i32>} : memref<8x2048xf32, #tpu.memory_space<vmem>>, vector<1x16xf32>,
      %get3A_413 = vector.shape_cast %get3A_412 : vector<1x16xf32> to vector<16xf32>
      %mul3A_414 = arith.mulf %get3A_408, %get3A_413 : vector<16xf32>
      %add3A_415 = arith.addf %add3A_313, %mul3A_414 : vector<16xf32>
      %get3A_416 = arith.constant 4 : i32
      %get3A_417 = arith.index_cast %get3A_416 : i32 to index
      %get3A_418 = arith.index_cast %mul3A_367 : i32 to index
      %get3A_419 = tpu.vector_load %arg11[%get3A_417, %get3A_418] {strides = array<i32>} : memref<8x2048xf32, #tpu.memory_space<vmem>>, vector<1x16xf32>,
      %get3A_420 = vector.shape_cast %get3A_419 : vector<1x16xf32> to vector<16xf32>
      %get3A_421 = arith.constant 4 : i32
      %get3A_422 = arith.index_cast %get3A_421 : i32 to index
      %get3A_423 = arith.index_cast %mul3A_367 : i32 to index
      %get3A_424 = tpu.vector_load %arg13[%get3A_422, %get3A_423] {strides = array<i32>} : memref<8x2048xf32, #tpu.memory_space<vmem>>, vector<1x16xf32>,
      %get3A_425 = vector.shape_cast %get3A_424 : vector<1x16xf32> to vector<16xf32>
      %mul3A_426 = arith.mulf %get3A_420, %get3A_425 : vector<16xf32>
      %add3A_427 = arith.addf %add3A_325, %mul3A_426 : vector<16xf32>
      %get3A_428 = arith.constant 5 : i32
      %get3A_429 = arith.index_cast %get3A_428 : i32 to index
      %get3A_430 = arith.index_cast %mul3A_367 : i32 to index
      %get3A_431 = tpu.vector_load %arg11[%get3A_429, %get3A_430] {strides = array<i32>} : memref<8x2048xf32, #tpu.memory_space<vmem>>, vector<1x16xf32>,
      %get3A_432 = vector.shape_cast %get3A_431 : vector<1x16xf32> to vector<16xf32>
      %get3A_433 = arith.constant 5 : i32
      %get3A_434 = arith.index_cast %get3A_433 : i32 to index
      %get3A_435 = arith.index_cast %mul3A_367 : i32 to index
      %get3A_436 = tpu.vector_load %arg13[%get3A_434, %get3A_435] {strides = array<i32>} : memref<8x2048xf32, #tpu.memory_space<vmem>>, vector<1x16xf32>,
      %get3A_437 = vector.shape_cast %get3A_436 : vector<1x16xf32> to vector<16xf32>
      %mul3A_438 = arith.mulf %get3A_432, %get3A_437 : vector<16xf32>
      %add3A_439 = arith.addf %add3A_337, %mul3A_438 : vector<16xf32>
      %get3A_440 = arith.constant 6 : i32
      %get3A_441 = arith.index_cast %get3A_440 : i32 to index
      %get3A_442 = arith.index_cast %mul3A_367 : i32 to index
      %get3A_443 = tpu.vector_load %arg11[%get3A_441, %get3A_442] {strides = array<i32>} : memref<8x2048xf32, #tpu.memory_space<vmem>>, vector<1x16xf32>,
      %get3A_444 = vector.shape_cast %get3A_443 : vector<1x16xf32> to vector<16xf32>
      %get3A_445 = arith.constant 6 : i32
      %get3A_446 = arith.index_cast %get3A_445 : i32 to index
      %get3A_447 = arith.index_cast %mul3A_367 : i32 to index
      %get3A_448 = tpu.vector_load %arg13[%get3A_446, %get3A_447] {strides = array<i32>} : memref<8x2048xf32, #tpu.memory_space<vmem>>, vector<1x16xf32>,
      %get3A_449 = vector.shape_cast %get3A_448 : vector<1x16xf32> to vector<16xf32>
      %mul3A_450 = arith.mulf %get3A_444, %get3A_449 : vector<16xf32>
      %add3A_451 = arith.addf %add3A_349, %mul3A_450 : vector<16xf32>
      %get3A_452 = arith.constant 7 : i32
      %get3A_453 = arith.index_cast %get3A_452 : i32 to index
      %get3A_454 = arith.index_cast %mul3A_367 : i32 to index
      %get3A_455 = tpu.vector_load %arg11[%get3A_453, %get3A_454] {strides = array<i32>} : memref<8x2048xf32, #tpu.memory_space<vmem>>, vector<1x16xf32>,
      %get3A_456 = vector.shape_cast %get3A_455 : vector<1x16xf32> to vector<16xf32>
      %get3A_457 = arith.constant 7 : i32
      %get3A_458 = arith.index_cast %get3A_457 : i32 to index
      %get3A_459 = arith.index_cast %mul3A_367 : i32 to index
      %get3A_460 = tpu.vector_load %arg13[%get3A_458, %get3A_459] {strides = array<i32>} : memref<8x2048xf32, #tpu.memory_space<vmem>>, vector<1x16xf32>,
      %get3A_461 = vector.shape_cast %get3A_460 : vector<1x16xf32> to vector<16xf32>
      %mul3A_462 = arith.mulf %get3A_456, %get3A_461 : vector<16xf32>
      %add3A_463 = arith.addf %add3A_361, %mul3A_462 : vector<16xf32>
      %mul3A_464 = arith.constant 4 : i32
      %mul3A_465 = arith.muli %scan3A_150, %mul3A_464 : i32
      %add3A_466 = arith.constant 3 : i32
      %add3A_467 = arith.addi %mul3A_465, %add3A_466 : i32
      %mul3A_468 = arith.constant 16 : i32
      %mul3A_469 = arith.muli %add3A_467, %mul3A_468 : i32
      %get3A_470 = arith.constant 0 : i32
      %get3A_471 = arith.index_cast %get3A_470 : i32 to index
      %get3A_472 = arith.index_cast %mul3A_469 : i32 to index
      %get3A_473 = tpu.vector_load %arg11[%get3A_471, %get3A_472] {strides = array<i32>} : memref<8x2048xf32, #tpu.memory_space<vmem>>, vector<1x16xf32>,
      %get3A_474 = vector.shape_cast %get3A_473 : vector<1x16xf32> to vector<16xf32>
      %get3A_475 = arith.constant 0 : i32
      %get3A_476 = arith.index_cast %get3A_475 : i32 to index
      %get3A_477 = arith.index_cast %mul3A_469 : i32 to index
      %get3A_478 = tpu.vector_load %arg13[%get3A_476, %get3A_477] {strides = array<i32>} : memref<8x2048xf32, #tpu.memory_space<vmem>>, vector<1x16xf32>,
      %get3A_479 = vector.shape_cast %get3A_478 : vector<1x16xf32> to vector<16xf32>
      %mul3A_480 = arith.mulf %get3A_474, %get3A_479 : vector<16xf32>
      %add3A_481 = arith.addf %add3A_379, %mul3A_480 : vector<16xf32>
      %get3A_482 = arith.constant 1 : i32
      %get3A_483 = arith.index_cast %get3A_482 : i32 to index
      %get3A_484 = arith.index_cast %mul3A_469 : i32 to index
      %get3A_485 = tpu.vector_load %arg11[%get3A_483, %get3A_484] {strides = array<i32>} : memref<8x2048xf32, #tpu.memory_space<vmem>>, vector<1x16xf32>,
      %get3A_486 = vector.shape_cast %get3A_485 : vector<1x16xf32> to vector<16xf32>
      %get3A_487 = arith.constant 1 : i32
      %get3A_488 = arith.index_cast %get3A_487 : i32 to index
      %get3A_489 = arith.index_cast %mul3A_469 : i32 to index
      %get3A_490 = tpu.vector_load %arg13[%get3A_488, %get3A_489] {strides = array<i32>} : memref<8x2048xf32, #tpu.memory_space<vmem>>, vector<1x16xf32>,
      %get3A_491 = vector.shape_cast %get3A_490 : vector<1x16xf32> to vector<16xf32>
      %mul3A_492 = arith.mulf %get3A_486, %get3A_491 : vector<16xf32>
      %add3A_493 = arith.addf %add3A_391, %mul3A_492 : vector<16xf32>
      %get3A_494 = arith.constant 2 : i32
      %get3A_495 = arith.index_cast %get3A_494 : i32 to index
      %get3A_496 = arith.index_cast %mul3A_469 : i32 to index
      %get3A_497 = tpu.vector_load %arg11[%get3A_495, %get3A_496] {strides = array<i32>} : memref<8x2048xf32, #tpu.memory_space<vmem>>, vector<1x16xf32>,
      %get3A_498 = vector.shape_cast %get3A_497 : vector<1x16xf32> to vector<16xf32>
      %get3A_499 = arith.constant 2 : i32
      %get3A_500 = arith.index_cast %get3A_499 : i32 to index
      %get3A_501 = arith.index_cast %mul3A_469 : i32 to index
      %get3A_502 = tpu.vector_load %arg13[%get3A_500, %get3A_501] {strides = array<i32>} : memref<8x2048xf32, #tpu.memory_space<vmem>>, vector<1x16xf32>,
      %get3A_503 = vector.shape_cast %get3A_502 : vector<1x16xf32> to vector<16xf32>
      %mul3A_504 = arith.mulf %get3A_498, %get3A_503 : vector<16xf32>
      %add3A_505 = arith.addf %add3A_403, %mul3A_504 : vector<16xf32>
      %get3A_506 = arith.constant 3 : i32
      %get3A_507 = arith.index_cast %get3A_506 : i32 to index
      %get3A_508 = arith.index_cast %mul3A_469 : i32 to index
      %get3A_509 = tpu.vector_load %arg11[%get3A_507, %get3A_508] {strides = array<i32>} : memref<8x2048xf32, #tpu.memory_space<vmem>>, vector<1x16xf32>,
      %get3A_510 = vector.shape_cast %get3A_509 : vector<1x16xf32> to vector<16xf32>
      %get3A_511 = arith.constant 3 : i32
      %get3A_512 = arith.index_cast %get3A_511 : i32 to index
      %get3A_513 = arith.index_cast %mul3A_469 : i32 to index
      %get3A_514 = tpu.vector_load %arg13[%get3A_512, %get3A_513] {strides = array<i32>} : memref<8x2048xf32, #tpu.memory_space<vmem>>, vector<1x16xf32>,
      %get3A_515 = vector.shape_cast %get3A_514 : vector<1x16xf32> to vector<16xf32>
      %mul3A_516 = arith.mulf %get3A_510, %get3A_515 : vector<16xf32>
      %add3A_517 = arith.addf %add3A_415, %mul3A_516 : vector<16xf32>
      %get3A_518 = arith.constant 4 : i32
      %get3A_519 = arith.index_cast %get3A_518 : i32 to index
      %get3A_520 = arith.index_cast %mul3A_469 : i32 to index
      %get3A_521 = tpu.vector_load %arg11[%get3A_519, %get3A_520] {strides = array<i32>} : memref<8x2048xf32, #tpu.memory_space<vmem>>, vector<1x16xf32>,
      %get3A_522 = vector.shape_cast %get3A_521 : vector<1x16xf32> to vector<16xf32>
      %get3A_523 = arith.constant 4 : i32
      %get3A_524 = arith.index_cast %get3A_523 : i32 to index
      %get3A_525 = arith.index_cast %mul3A_469 : i32 to index
      %get3A_526 = tpu.vector_load %arg13[%get3A_524, %get3A_525] {strides = array<i32>} : memref<8x2048xf32, #tpu.memory_space<vmem>>, vector<1x16xf32>,
      %get3A_527 = vector.shape_cast %get3A_526 : vector<1x16xf32> to vector<16xf32>
      %mul3A_528 = arith.mulf %get3A_522, %get3A_527 : vector<16xf32>
      %add3A_529 = arith.addf %add3A_427, %mul3A_528 : vector<16xf32>
      %get3A_530 = arith.constant 5 : i32
      %get3A_531 = arith.index_cast %get3A_530 : i32 to index
      %get3A_532 = arith.index_cast %mul3A_469 : i32 to index
      %get3A_533 = tpu.vector_load %arg11[%get3A_531, %get3A_532] {strides = array<i32>} : memref<8x2048xf32, #tpu.memory_space<vmem>>, vector<1x16xf32>,
      %get3A_534 = vector.shape_cast %get3A_533 : vector<1x16xf32> to vector<16xf32>
      %get3A_535 = arith.constant 5 : i32
      %get3A_536 = arith.index_cast %get3A_535 : i32 to index
      %get3A_537 = arith.index_cast %mul3A_469 : i32 to index
      %get3A_538 = tpu.vector_load %arg13[%get3A_536, %get3A_537] {strides = array<i32>} : memref<8x2048xf32, #tpu.memory_space<vmem>>, vector<1x16xf32>,
      %get3A_539 = vector.shape_cast %get3A_538 : vector<1x16xf32> to vector<16xf32>
      %mul3A_540 = arith.mulf %get3A_534, %get3A_539 : vector<16xf32>
      %add3A_541 = arith.addf %add3A_439, %mul3A_540 : vector<16xf32>
      %get3A_542 = arith.constant 6 : i32
      %get3A_543 = arith.index_cast %get3A_542 : i32 to index
      %get3A_544 = arith.index_cast %mul3A_469 : i32 to index
      %get3A_545 = tpu.vector_load %arg11[%get3A_543, %get3A_544] {strides = array<i32>} : memref<8x2048xf32, #tpu.memory_space<vmem>>, vector<1x16xf32>,
      %get3A_546 = vector.shape_cast %get3A_545 : vector<1x16xf32> to vector<16xf32>
      %get3A_547 = arith.constant 6 : i32
      %get3A_548 = arith.index_cast %get3A_547 : i32 to index
      %get3A_549 = arith.index_cast %mul3A_469 : i32 to index
      %get3A_550 = tpu.vector_load %arg13[%get3A_548, %get3A_549] {strides = array<i32>} : memref<8x2048xf32, #tpu.memory_space<vmem>>, vector<1x16xf32>,
      %get3A_551 = vector.shape_cast %get3A_550 : vector<1x16xf32> to vector<16xf32>
      %mul3A_552 = arith.mulf %get3A_546, %get3A_551 : vector<16xf32>
      %add3A_553 = arith.addf %add3A_451, %mul3A_552 : vector<16xf32>
      %get3A_554 = arith.constant 7 : i32
      %get3A_555 = arith.index_cast %get3A_554 : i32 to index
      %get3A_556 = arith.index_cast %mul3A_469 : i32 to index
      %get3A_557 = tpu.vector_load %arg11[%get3A_555, %get3A_556] {strides = array<i32>} : memref<8x2048xf32, #tpu.memory_space<vmem>>, vector<1x16xf32>,
      %get3A_558 = vector.shape_cast %get3A_557 : vector<1x16xf32> to vector<16xf32>
      %get3A_559 = arith.constant 7 : i32
      %get3A_560 = arith.index_cast %get3A_559 : i32 to index
      %get3A_561 = arith.index_cast %mul3A_469 : i32 to index
      %get3A_562 = tpu.vector_load %arg13[%get3A_560, %get3A_561] {strides = array<i32>} : memref<8x2048xf32, #tpu.memory_space<vmem>>, vector<1x16xf32>,
      %get3A_563 = vector.shape_cast %get3A_562 : vector<1x16xf32> to vector<16xf32>
      %mul3A_564 = arith.mulf %get3A_558, %get3A_563 : vector<16xf32>
      %add3A_565 = arith.addf %add3A_463, %mul3A_564 : vector<16xf32>
      scf.yield %add3A_481, %add3A_493, %add3A_505, %add3A_517, %add3A_529, %add3A_541, %add3A_553, %add3A_565 : vector<16xf32>, vector<16xf32>, vector<16xf32>, vector<16xf32>, vector<16xf32>, vector<16xf32>, vector<16xf32>, vector<16xf32>
    }
    %scan3A_101 = arith.constant 32 : i32
    %swap3A_102 = arith.constant 0 : i32
    %swap3A_103 = arith.index_cast %swap3A_102 : i32 to index
    %swap3A_104 = arith.constant 0 : index
    %swap3A_105 = tpu.vector_load %arg14[%swap3A_103, %swap3A_104] {strides = array<i32>} : memref<8x16xf32, #tpu.memory_space<vmem>>, vector<1x16xf32>,
    %swap3A_106 = vector.shape_cast %swap3A_105 : vector<1x16xf32> to vector<16xf32>
    %swap3A_107 = vector.shape_cast %scan3A_100#0 : vector<16xf32> to vector<1x16xf32>
    tpu.vector_store %arg14[%swap3A_103, %swap3A_104], %swap3A_107 {strides = array<i32>} : memref<8x16xf32, #tpu.memory_space<vmem>>, vector<1x16xf32>,
    %swap3A_108 = arith.constant 1 : i32
    %swap3A_109 = arith.index_cast %swap3A_108 : i32 to index
    %swap3A_110 = arith.constant 0 : index
    %swap3A_111 = tpu.vector_load %arg14[%swap3A_109, %swap3A_110] {strides = array<i32>} : memref<8x16xf32, #tpu.memory_space<vmem>>, vector<1x16xf32>,
    %swap3A_112 = vector.shape_cast %swap3A_111 : vector<1x16xf32> to vector<16xf32>
    %swap3A_113 = vector.shape_cast %scan3A_100#1 : vector<16xf32> to vector<1x16xf32>
    tpu.vector_store %arg14[%swap3A_109, %swap3A_110], %swap3A_113 {strides = array<i32>} : memref<8x16xf32, #tpu.memory_space<vmem>>, vector<1x16xf32>,
    %swap3A_114 = arith.constant 2 : i32
    %swap3A_115 = arith.index_cast %swap3A_114 : i32 to index
    %swap3A_116 = arith.constant 0 : index
    %swap3A_117 = tpu.vector_load %arg14[%swap3A_115, %swap3A_116] {strides = array<i32>} : memref<8x16xf32, #tpu.memory_space<vmem>>, vector<1x16xf32>,
    %swap3A_118 = vector.shape_cast %swap3A_117 : vector<1x16xf32> to vector<16xf32>
    %swap3A_119 = vector.shape_cast %scan3A_100#2 : vector<16xf32> to vector<1x16xf32>
    tpu.vector_store %arg14[%swap3A_115, %swap3A_116], %swap3A_119 {strides = array<i32>} : memref<8x16xf32, #tpu.memory_space<vmem>>, vector<1x16xf32>,
    %swap3A_120 = arith.constant 3 : i32
    %swap3A_121 = arith.index_cast %swap3A_120 : i32 to index
    %swap3A_122 = arith.constant 0 : index
    %swap3A_123 = tpu.vector_load %arg14[%swap3A_121, %swap3A_122] {strides = array<i32>} : memref<8x16xf32, #tpu.memory_space<vmem>>, vector<1x16xf32>,
    %swap3A_124 = vector.shape_cast %swap3A_123 : vector<1x16xf32> to vector<16xf32>
    %swap3A_125 = vector.shape_cast %scan3A_100#3 : vector<16xf32> to vector<1x16xf32>
    tpu.vector_store %arg14[%swap3A_121, %swap3A_122], %swap3A_125 {strides = array<i32>} : memref<8x16xf32, #tpu.memory_space<vmem>>, vector<1x16xf32>,
    %swap3A_126 = arith.constant 4 : i32
    %swap3A_127 = arith.index_cast %swap3A_126 : i32 to index
    %swap3A_128 = arith.constant 0 : index
    %swap3A_129 = tpu.vector_load %arg14[%swap3A_127, %swap3A_128] {strides = array<i32>} : memref<8x16xf32, #tpu.memory_space<vmem>>, vector<1x16xf32>,
    %swap3A_130 = vector.shape_cast %swap3A_129 : vector<1x16xf32> to vector<16xf32>
    %swap3A_131 = vector.shape_cast %scan3A_100#4 : vector<16xf32> to vector<1x16xf32>
    tpu.vector_store %arg14[%swap3A_127, %swap3A_128], %swap3A_131 {strides = array<i32>} : memref<8x16xf32, #tpu.memory_space<vmem>>, vector<1x16xf32>,
    %swap3A_132 = arith.constant 5 : i32
    %swap3A_133 = arith.index_cast %swap3A_132 : i32 to index
    %swap3A_134 = arith.constant 0 : index
    %swap3A_135 = tpu.vector_load %arg14[%swap3A_133, %swap3A_134] {strides = array<i32>} : memref<8x16xf32, #tpu.memory_space<vmem>>, vector<1x16xf32>,
    %swap3A_136 = vector.shape_cast %swap3A_135 : vector<1x16xf32> to vector<16xf32>
    %swap3A_137 = vector.shape_cast %scan3A_100#5 : vector<16xf32> to vector<1x16xf32>
    tpu.vector_store %arg14[%swap3A_133, %swap3A_134], %swap3A_137 {strides = array<i32>} : memref<8x16xf32, #tpu.memory_space<vmem>>, vector<1x16xf32>,
    %swap3A_138 = arith.constant 6 : i32
    %swap3A_139 = arith.index_cast %swap3A_138 : i32 to index
    %swap3A_140 = arith.constant 0 : index
    %swap3A_141 = tpu.vector_load %arg14[%swap3A_139, %swap3A_140] {strides = array<i32>} : memref<8x16xf32, #tpu.memory_space<vmem>>, vector<1x16xf32>,
    %swap3A_142 = vector.shape_cast %swap3A_141 : vector<1x16xf32> to vector<16xf32>
    %swap3A_143 = vector.shape_cast %scan3A_100#6 : vector<16xf32> to vector<1x16xf32>
    tpu.vector_store %arg14[%swap3A_139, %swap3A_140], %swap3A_143 {strides = array<i32>} : memref<8x16xf32, #tpu.memory_space<vmem>>, vector<1x16xf32>,
    %swap3A_144 = arith.constant 7 : i32
    %swap3A_145 = arith.index_cast %swap3A_144 : i32 to index
    %swap3A_146 = arith.constant 0 : index
    %swap3A_147 = tpu.vector_load %arg14[%swap3A_145, %swap3A_146] {strides = array<i32>} : memref<8x16xf32, #tpu.memory_space<vmem>>, vector<1x16xf32>,
    %swap3A_148 = vector.shape_cast %swap3A_147 : vector<1x16xf32> to vector<16xf32>
    %swap3A_149 = vector.shape_cast %scan3A_100#7 : vector<16xf32> to vector<1x16xf32>
    tpu.vector_store %arg14[%swap3A_145, %swap3A_146], %swap3A_149 {strides = array<i32>} : memref<8x16xf32, #tpu.memory_space<vmem>>, vector<1x16xf32>,
    "tpu.region"() ({
      %run_scoped3A = tpu.sem_alloc : memref<!tpu.dma_semaphore, #tpu.memory_space<semaphore_mem>>
      %dma_start3A_150 = arith.constant 0 : i32
      %dma_start3A_151 = tpu.memref_slice %arg8[%mul3A_2, %dma_start3A_150] : memref<256x16xf32, #tpu.memory_space<hbm>> -> memref<8x16xf32, #tpu.memory_space<hbm>>
      %dma_start3A_152 = arith.constant 0 : i32
      %dma_start3A_153 = tpu.memref_slice %arg8[%mul3A_2, %dma_start3A_152] : memref<256x16xf32, #tpu.memory_space<hbm>> -> memref<8x16xf32, #tpu.memory_space<hbm>>
      tpu.enqueue_dma source(%arg14 : memref<8x16xf32, #tpu.memory_space<vmem>>) target(%dma_start3A_153 : memref<8x16xf32, #tpu.memory_space<hbm>>) target_semaphore(%run_scoped3A : memref<!tpu.dma_semaphore, #tpu.memory_space<semaphore_mem>>)
      %dma_wait3A_154 = arith.constant 0 : i32
      %dma_wait3A_155 = tpu.memref_slice %arg8[%mul3A_2, %dma_wait3A_154] : memref<256x16xf32, #tpu.memory_space<hbm>> -> memref<8x16xf32, #tpu.memory_space<hbm>>
      %dma_wait3A_156 = arith.constant 0 : i32
      %dma_wait3A_157 = tpu.memref_slice %arg8[%mul3A_2, %dma_wait3A_156] : memref<256x16xf32, #tpu.memory_space<hbm>> -> memref<8x16xf32, #tpu.memory_space<hbm>>
      tpu.wait_dma2 semaphore(%run_scoped3A : memref<!tpu.dma_semaphore, #tpu.memory_space<semaphore_mem>>) src(%arg14 : memref<8x16xf32, #tpu.memory_space<vmem>>) dst(%dma_wait3A_157 : memref<8x16xf32, #tpu.memory_space<hbm>>)
      tpu.yield
    }) : () -> ()
    return
  }
}

module attributes {stable_mosaic.version = 14 : i64} {
  func.func @_combine_body(%arg0: memref<256x16xf32, #tpu.memory_space<vmem>>, %arg1: memref<256x16xf32, #tpu.memory_space<vmem>>, %arg2: memref<256x1xf32, #tpu.memory_space<vmem>>, %arg3: memref<256x1xf32, #tpu.memory_space<vmem>>, %arg4: memref<1x1xf32, #tpu.memory_space<vmem>>, %arg5: memref<256x1xi32, #tpu.memory_space<vmem>>, %arg6: memref<1x1xf32, #tpu.memory_space<vmem>>) attributes {dimension_semantics = [], scalar_prefetch = 0 : i64, scratch_operands = 0 : i64, tpu.core_type = #tpu.core_type<tc>} {
    %get3A = arith.constant 0 : index
    %get3A_0 = arith.constant 0 : index
    %get3A_1 = vector.load %arg0[%get3A, %get3A_0] : memref<256x16xf32, #tpu.memory_space<vmem>>, vector<256x16xf32>
    %reduce_sum3A = arith.constant dense<0.000000e+00> : vector<256xf32>
    %reduce_sum3A_2 = vector.multi_reduction <add>, %get3A_1, %reduce_sum3A [1] : vector<256x16xf32> to vector<256xf32>
    %broadcast_in_dim3A = vector.shape_cast %reduce_sum3A_2 : vector<256xf32> to vector<256x1xf32>
    %get3A_3 = arith.constant 0 : index
    %get3A_4 = arith.constant 0 : index
    %get3A_5 = vector.load %arg1[%get3A_3, %get3A_4] : memref<256x16xf32, #tpu.memory_space<vmem>>, vector<256x16xf32>
    %reduce_sum3A_6 = arith.constant dense<0.000000e+00> : vector<256xf32>
    %reduce_sum3A_7 = vector.multi_reduction <add>, %get3A_5, %reduce_sum3A_6 [1] : vector<256x16xf32> to vector<256xf32>
    %broadcast_in_dim3A_8 = vector.shape_cast %reduce_sum3A_7 : vector<256xf32> to vector<256x1xf32>
    %get3A_9 = arith.constant 0 : index
    %get3A_10 = arith.constant 0 : index
    %get3A_11 = vector.load %arg2[%get3A_9, %get3A_10] : memref<256x1xf32, #tpu.memory_space<vmem>>, vector<256x1xf32>
    %log3A = math.log %get3A_11 : vector<256x1xf32>
    %get3A_12 = arith.constant 0 : index
    %get3A_13 = arith.constant 0 : index
    %get3A_14 = vector.load %arg3[%get3A_12, %get3A_13] : memref<256x1xf32, #tpu.memory_space<vmem>>, vector<256x1xf32>
    %log3A_15 = math.log %get3A_14 : vector<256x1xf32>
    %get3A_16 = arith.constant 0 : index
    %get3A_17 = arith.constant 0 : index
    %get3A_18 = vector.load %arg5[%get3A_16, %get3A_17] : memref<256x1xi32, #tpu.memory_space<vmem>>, vector<256x1xi32>
    %gt3A = arith.constant -1 : i32
    %gt3A_19 = vector.broadcast %gt3A : i32 to vector<256x1xi32>
    %gt3A_20 = arith.cmpi sgt, %get3A_18, %gt3A_19 : vector<256x1xi32>
    %convert_element_type3A = arith.extui %gt3A_20 : vector<256x1xi1> to vector<256x1xi32>
    %convert_element_type3A_21 = arith.sitofp %convert_element_type3A : vector<256x1xi32> to vector<256x1xf32>
    %reduce_sum3A_22 = vector.shape_cast %convert_element_type3A_21 : vector<256x1xf32> to vector<1x256x1xf32>
    %reduce_sum3A_23 = arith.constant dense<0.000000e+00> : vector<1xf32>
    %reduce_sum3A_24 = vector.multi_reduction <add>, %reduce_sum3A_22, %reduce_sum3A_23 [1, 2] : vector<1x256x1xf32> to vector<1xf32>
    %reduce_sum3A_25 = vector.shape_cast %reduce_sum3A_24 : vector<1xf32> to vector<1x1x1xf32>
    %reduce_sum3A_26 = vector.extract %reduce_sum3A_25[0, 0, 0] : f32 from vector<1x1x1xf32>
    %mul3A = arith.constant 1.000000e+01 : f32
    %mul3A_27 = vector.broadcast %mul3A : f32 to vector<256x1xf32>
    %mul3A_28 = arith.mulf %mul3A_27, %broadcast_in_dim3A : vector<256x1xf32>
    %sub3A = arith.subf %log3A, %mul3A_28 : vector<256x1xf32>
    %mul3A_29 = arith.mulf %sub3A, %convert_element_type3A_21 : vector<256x1xf32>
    %reduce_sum3A_30 = vector.shape_cast %mul3A_29 : vector<256x1xf32> to vector<1x256x1xf32>
    %reduce_sum3A_31 = arith.constant dense<0.000000e+00> : vector<1xf32>
    %reduce_sum3A_32 = vector.multi_reduction <add>, %reduce_sum3A_30, %reduce_sum3A_31 [1, 2] : vector<1x256x1xf32> to vector<1xf32>
    %reduce_sum3A_33 = vector.shape_cast %reduce_sum3A_32 : vector<1xf32> to vector<1x1x1xf32>
    %reduce_sum3A_34 = vector.extract %reduce_sum3A_33[0, 0, 0] : f32 from vector<1x1x1xf32>
    %div3A = arith.divf %reduce_sum3A_34, %reduce_sum3A_26 : f32
    %mul3A_35 = arith.constant 1.000000e+01 : f32
    %mul3A_36 = vector.broadcast %mul3A_35 : f32 to vector<256x1xf32>
    %mul3A_37 = arith.mulf %mul3A_36, %broadcast_in_dim3A_8 : vector<256x1xf32>
    %sub3A_38 = arith.subf %log3A_15, %mul3A_37 : vector<256x1xf32>
    %mul3A_39 = arith.mulf %sub3A_38, %convert_element_type3A_21 : vector<256x1xf32>
    %reduce_sum3A_40 = vector.shape_cast %mul3A_39 : vector<256x1xf32> to vector<1x256x1xf32>
    %reduce_sum3A_41 = arith.constant dense<0.000000e+00> : vector<1xf32>
    %reduce_sum3A_42 = vector.multi_reduction <add>, %reduce_sum3A_40, %reduce_sum3A_41 [1, 2] : vector<1x256x1xf32> to vector<1xf32>
    %reduce_sum3A_43 = vector.shape_cast %reduce_sum3A_42 : vector<1xf32> to vector<1x1x1xf32>
    %reduce_sum3A_44 = vector.extract %reduce_sum3A_43[0, 0, 0] : f32 from vector<1x1x1xf32>
    %div3A_45 = arith.divf %reduce_sum3A_44, %reduce_sum3A_26 : f32
    %add3A = arith.addf %div3A, %div3A_45 : f32
    %mul3A_46 = arith.constant 5.000000e-01 : f32
    %mul3A_47 = arith.mulf %add3A, %mul3A_46 : f32
    %get3A_48 = arith.constant 0 : index
    %get3A_49 = arith.constant 0 : index
    %get3A_50 = vector.load %arg4[%get3A_48, %get3A_49] : memref<1x1xf32, #tpu.memory_space<vmem>>, vector<1x1xf32>
    %add3A_51 = vector.broadcast %mul3A_47 : f32 to vector<1x1xf32>
    %add3A_52 = arith.addf %add3A_51, %get3A_50 : vector<1x1xf32>
    %swap3A = arith.constant 0 : index
    %swap3A_53 = arith.constant 0 : index
    %swap3A_54 = vector.load %arg6[%swap3A, %swap3A_53] : memref<1x1xf32, #tpu.memory_space<vmem>>, vector<1x1xf32>
    tpu.vector_store %arg6[%swap3A, %swap3A_53], %add3A_52 {strides = array<i32>} : memref<1x1xf32, #tpu.memory_space<vmem>>, vector<1x1xf32>,
    return
  }
}

module attributes {stable_mosaic.version = 14 : i64} {
  func.func @_stream_body(%arg0: i32, %arg1: memref<256x2048xf32, #tpu.memory_space<vmem>>, %arg2: memref<256x2048xf32, #tpu.memory_space<vmem>>, %arg3: memref<1024x2048xf32, #tpu.memory_space<vmem>>, %arg4: memref<1024x2048xf32, #tpu.memory_space<vmem>>, %arg5: memref<256x1xf32, #tpu.memory_space<vmem>>, %arg6: memref<256x1xf32, #tpu.memory_space<vmem>>, %arg7: memref<1x1xf32, #tpu.memory_space<vmem>>) attributes {dimension_semantics = [#tpu.dimension_semantics<arbitrary>], iteration_bounds = array<i64: 15>, scalar_prefetch = 0 : i64, scratch_operands = 0 : i64, tpu.core_type = #tpu.core_type<tc>, window_params = [{pipeline_mode = #tpu.pipeline_mode<synchronous>, transform_indices = @transform_0, window_bounds = array<i64: 256, 2048>}, {pipeline_mode = #tpu.pipeline_mode<synchronous>, transform_indices = @transform_1, window_bounds = array<i64: 256, 2048>}, {transform_indices = @transform_2, window_bounds = array<i64: 1024, 2048>}, {transform_indices = @transform_3, window_bounds = array<i64: 1024, 2048>}, {pipeline_mode = #tpu.pipeline_mode<synchronous>, transform_indices = @transform_4, window_bounds = array<i64: 256, 1>}, {pipeline_mode = #tpu.pipeline_mode<synchronous>, transform_indices = @transform_5, window_bounds = array<i64: 256, 1>}, {pipeline_mode = #tpu.pipeline_mode<synchronous>, transform_indices = @transform_6, window_bounds = array<i64: 1, 1>}]} {
    %get3A = arith.constant 0 : index
    %get3A_0 = arith.constant 0 : index
    %get3A_1 = vector.load %arg1[%get3A, %get3A_0] : memref<256x2048xf32, #tpu.memory_space<vmem>>, vector<256x2048xf32>
    %get3A_2 = arith.constant 0 : index
    %get3A_3 = arith.constant 0 : index
    %get3A_4 = vector.load %arg2[%get3A_2, %get3A_3] : memref<256x2048xf32, #tpu.memory_space<vmem>>, vector<256x2048xf32>
    %get3A_5 = arith.constant 0 : index
    %get3A_6 = arith.constant 0 : index
    %get3A_7 = vector.load %arg3[%get3A_5, %get3A_6] : memref<1024x2048xf32, #tpu.memory_space<vmem>>, vector<1024x2048xf32>
    %convert_element_type3A = arith.truncf %get3A_1 : vector<256x2048xf32> to vector<256x2048xbf16>
    %convert_element_type3A_8 = arith.truncf %get3A_7 : vector<1024x2048xf32> to vector<1024x2048xbf16>
    %dot_general3A = arith.constant dense<0.000000e+00> : vector<256x1024xf32>
    %dot_general3A_9 = tpu.matmul %convert_element_type3A, %convert_element_type3A_8, %dot_general3A {dimension_numbers = #tpu.dot_dimension_numbers<[1], [1], [0], [0], [0, 0, 1, 0], [], []>, transpose_lhs_hint = false} : vector<256x2048xbf16>, vector<1024x2048xbf16>, vector<256x1024xf32> -> vector<256x1024xf32>
    %get3A_10 = arith.constant 0 : index
    %get3A_11 = arith.constant 0 : index
    %get3A_12 = vector.load %arg4[%get3A_10, %get3A_11] : memref<1024x2048xf32, #tpu.memory_space<vmem>>, vector<1024x2048xf32>
    %convert_element_type3A_13 = arith.truncf %get3A_4 : vector<256x2048xf32> to vector<256x2048xbf16>
    %convert_element_type3A_14 = arith.truncf %get3A_12 : vector<1024x2048xf32> to vector<1024x2048xbf16>
    %dot_general3A_15 = arith.constant dense<0.000000e+00> : vector<256x1024xf32>
    %dot_general3A_16 = tpu.matmul %convert_element_type3A_13, %convert_element_type3A_14, %dot_general3A_15 {dimension_numbers = #tpu.dot_dimension_numbers<[1], [1], [0], [0], [0, 0, 1, 0], [], []>, transpose_lhs_hint = false} : vector<256x2048xbf16>, vector<1024x2048xbf16>, vector<256x1024xf32> -> vector<256x1024xf32>
    %iota3A = tpu.iota {dimensions = array<i32: 1>} : vector<1x1024xi32>
    %mul3A = arith.constant 1024 : i32
    %mul3A_17 = arith.muli %arg0, %mul3A : i32
    %add3A = vector.broadcast %mul3A_17 : i32 to vector<1x1024xi32>
    %add3A_18 = arith.addi %iota3A, %add3A : vector<1x1024xi32>
    %lt3A = arith.constant 15080 : i32
    %lt3A_19 = vector.broadcast %lt3A : i32 to vector<1x1024xi32>
    %lt3A_20 = arith.cmpi slt, %add3A_18, %lt3A_19 : vector<1x1024xi32>
    %mul3A_21 = arith.constant 1.000000e+01 : f32
    %mul3A_22 = vector.broadcast %mul3A_21 : f32 to vector<256x1024xf32>
    %mul3A_23 = arith.mulf %dot_general3A_9, %mul3A_22 : vector<256x1024xf32>
    %jit3A = arith.constant -1.000000e+30 : f32
    %broadcast_in_dim3A = vector.shape_cast %lt3A_20 : vector<1x1024xi1> to vector<1x1024xi1>
    %broadcast_in_dim3A_24 = vector.broadcast %broadcast_in_dim3A : vector<1x1024xi1> to vector<256x1024xi1>
    %broadcast_in_dim3A_25 = vector.broadcast %jit3A : f32 to vector<256x1024xf32>
    %select_n3A = arith.select %broadcast_in_dim3A_24, %mul3A_23, %broadcast_in_dim3A_25 : vector<256x1024xi1>, vector<256x1024xf32>
    %mul3A_26 = arith.constant 1.000000e+01 : f32
    %mul3A_27 = vector.broadcast %mul3A_26 : f32 to vector<256x1024xf32>
    %mul3A_28 = arith.mulf %dot_general3A_16, %mul3A_27 : vector<256x1024xf32>
    %jit3A_29 = arith.constant -1.000000e+30 : f32
    %broadcast_in_dim3A_30 = vector.shape_cast %lt3A_20 : vector<1x1024xi1> to vector<1x1024xi1>
    %broadcast_in_dim3A_31 = vector.broadcast %broadcast_in_dim3A_30 : vector<1x1024xi1> to vector<256x1024xi1>
    %broadcast_in_dim3A_32 = vector.broadcast %jit3A_29 : f32 to vector<256x1024xf32>
    %select_n3A_33 = arith.select %broadcast_in_dim3A_31, %mul3A_28, %broadcast_in_dim3A_32 : vector<256x1024xi1>, vector<256x1024xf32>
    %exp3A = math.exp %select_n3A : vector<256x1024xf32>
    %reduce_sum3A = arith.constant dense<0.000000e+00> : vector<256xf32>
    %reduce_sum3A_34 = vector.multi_reduction <add>, %exp3A, %reduce_sum3A [1] : vector<256x1024xf32> to vector<256xf32>
    %broadcast_in_dim3A_35 = vector.shape_cast %reduce_sum3A_34 : vector<256xf32> to vector<256x1xf32>
    %exp3A_36 = math.exp %select_n3A_33 : vector<256x1024xf32>
    %reduce_sum3A_37 = arith.constant dense<0.000000e+00> : vector<256xf32>
    %reduce_sum3A_38 = vector.multi_reduction <add>, %exp3A_36, %reduce_sum3A_37 [1] : vector<256x1024xf32> to vector<256xf32>
    %broadcast_in_dim3A_39 = vector.shape_cast %reduce_sum3A_38 : vector<256xf32> to vector<256x1xf32>
    %eq3A = arith.constant 0 : i32
    %eq3A_40 = arith.cmpi eq, %arg0, %eq3A : i32
    %convert_element_type3A_41 = arith.extui %eq3A_40 : i1 to i32
    %cond3A = arith.constant 0 : i32
    %cond3A_42 = arith.cmpi ne, %convert_element_type3A_41, %cond3A : i32
    scf.if %cond3A_42 {
      %swap3A = arith.constant 0 : index
      %swap3A_47 = arith.constant 0 : index
      %swap3A_48 = vector.load %arg5[%swap3A, %swap3A_47] : memref<256x1xf32, #tpu.memory_space<vmem>>, vector<256x1xf32>
      tpu.vector_store %arg5[%swap3A, %swap3A_47], %broadcast_in_dim3A_35 {strides = array<i32>} : memref<256x1xf32, #tpu.memory_space<vmem>>, vector<256x1xf32>,
      %swap3A_49 = arith.constant 0 : index
      %swap3A_50 = arith.constant 0 : index
      %swap3A_51 = vector.load %arg6[%swap3A_49, %swap3A_50] : memref<256x1xf32, #tpu.memory_space<vmem>>, vector<256x1xf32>
      tpu.vector_store %arg6[%swap3A_49, %swap3A_50], %broadcast_in_dim3A_39 {strides = array<i32>} : memref<256x1xf32, #tpu.memory_space<vmem>>, vector<256x1xf32>,
      %convert_element_type3A_52 = arith.truncf %get3A_1 : vector<256x2048xf32> to vector<256x2048xbf16>
      %convert_element_type3A_53 = arith.truncf %get3A_1 : vector<256x2048xf32> to vector<256x2048xbf16>
      %dot_general3A_54 = arith.constant dense<0.000000e+00> : vector<256x256xf32>
      %dot_general3A_55 = tpu.matmul %convert_element_type3A_52, %convert_element_type3A_53, %dot_general3A_54 {dimension_numbers = #tpu.dot_dimension_numbers<[1], [1], [0], [0], [0, 0, 1, 0], [], []>, transpose_lhs_hint = false} : vector<256x2048xbf16>, vector<256x2048xbf16>, vector<256x256xf32> -> vector<256x256xf32>
      %convert_element_type3A_56 = arith.truncf %get3A_4 : vector<256x2048xf32> to vector<256x2048xbf16>
      %convert_element_type3A_57 = arith.truncf %get3A_4 : vector<256x2048xf32> to vector<256x2048xbf16>
      %dot_general3A_58 = arith.constant dense<0.000000e+00> : vector<256x256xf32>
      %dot_general3A_59 = tpu.matmul %convert_element_type3A_56, %convert_element_type3A_57, %dot_general3A_58 {dimension_numbers = #tpu.dot_dimension_numbers<[1], [1], [0], [0], [0, 0, 1, 0], [], []>, transpose_lhs_hint = false} : vector<256x2048xbf16>, vector<256x2048xbf16>, vector<256x256xf32> -> vector<256x256xf32>
      %exp3A_60 = math.exp %dot_general3A_55 : vector<256x256xf32>
      %reduce_sum3A_61 = arith.constant dense<0.000000e+00> : vector<256xf32>
      %reduce_sum3A_62 = vector.multi_reduction <add>, %exp3A_60, %reduce_sum3A_61 [1] : vector<256x256xf32> to vector<256xf32>
      %broadcast_in_dim3A_63 = vector.shape_cast %reduce_sum3A_62 : vector<256xf32> to vector<256x1xf32>
      %log3A = math.log %broadcast_in_dim3A_63 : vector<256x1xf32>
      %exp3A_64 = math.exp %dot_general3A_59 : vector<256x256xf32>
      %reduce_sum3A_65 = arith.constant dense<0.000000e+00> : vector<256xf32>
      %reduce_sum3A_66 = vector.multi_reduction <add>, %exp3A_64, %reduce_sum3A_65 [1] : vector<256x256xf32> to vector<256xf32>
      %broadcast_in_dim3A_67 = vector.shape_cast %reduce_sum3A_66 : vector<256xf32> to vector<256x1xf32>
      %log3A_68 = math.log %broadcast_in_dim3A_67 : vector<256x1xf32>
      %sub3A = vector.broadcast %log3A : vector<256x1xf32> to vector<256x256xf32>
      %sub3A_69 = arith.subf %dot_general3A_55, %sub3A : vector<256x256xf32>
      %sub3A_70 = vector.broadcast %log3A_68 : vector<256x1xf32> to vector<256x256xf32>
      %sub3A_71 = arith.subf %dot_general3A_59, %sub3A_70 : vector<256x256xf32>
      %exp3A_72 = math.exp %sub3A_69 : vector<256x256xf32>
      %exp3A_73 = math.exp %sub3A_71 : vector<256x256xf32>
      %sub3A_74 = arith.subf %sub3A_71, %sub3A_69 : vector<256x256xf32>
      %mul3A_75 = arith.mulf %exp3A_73, %sub3A_74 : vector<256x256xf32>
      %reduce_sum3A_76 = vector.shape_cast %mul3A_75 : vector<256x256xf32> to vector<1x256x256xf32>
      %reduce_sum3A_77 = arith.constant dense<0.000000e+00> : vector<1xf32>
      %reduce_sum3A_78 = vector.multi_reduction <add>, %reduce_sum3A_76, %reduce_sum3A_77 [1, 2] : vector<1x256x256xf32> to vector<1xf32>
      %reduce_sum3A_79 = vector.shape_cast %reduce_sum3A_78 : vector<1xf32> to vector<1x1x1xf32>
      %reduce_sum3A_80 = vector.extract %reduce_sum3A_79[0, 0, 0] : f32 from vector<1x1x1xf32>
      %sub3A_81 = arith.subf %sub3A_69, %sub3A_71 : vector<256x256xf32>
      %mul3A_82 = arith.mulf %exp3A_72, %sub3A_81 : vector<256x256xf32>
      %reduce_sum3A_83 = vector.shape_cast %mul3A_82 : vector<256x256xf32> to vector<1x256x256xf32>
      %reduce_sum3A_84 = arith.constant dense<0.000000e+00> : vector<1xf32>
      %reduce_sum3A_85 = vector.multi_reduction <add>, %reduce_sum3A_83, %reduce_sum3A_84 [1, 2] : vector<1x256x256xf32> to vector<1xf32>
      %reduce_sum3A_86 = vector.shape_cast %reduce_sum3A_85 : vector<1xf32> to vector<1x1x1xf32>
      %reduce_sum3A_87 = vector.extract %reduce_sum3A_86[0, 0, 0] : f32 from vector<1x1x1xf32>
      %add3A_88 = arith.addf %reduce_sum3A_80, %reduce_sum3A_87 : f32
      %mul3A_89 = arith.mulf %get3A_1, %get3A_4 : vector<256x2048xf32>
      %reduce_sum3A_90 = vector.shape_cast %mul3A_89 : vector<256x2048xf32> to vector<1x256x2048xf32>
      %reduce_sum3A_91 = arith.constant dense<0.000000e+00> : vector<1xf32>
      %reduce_sum3A_92 = vector.multi_reduction <add>, %reduce_sum3A_90, %reduce_sum3A_91 [1, 2] : vector<1x256x2048xf32> to vector<1xf32>
      %reduce_sum3A_93 = vector.shape_cast %reduce_sum3A_92 : vector<1xf32> to vector<1x1x1xf32>
      %reduce_sum3A_94 = vector.extract %reduce_sum3A_93[0, 0, 0] : f32 from vector<1x1x1xf32>
      %div3A = arith.constant 2.560000e+02 : f32
      %div3A_95 = arith.divf %reduce_sum3A_94, %div3A : f32
      %sub3A_96 = arith.constant 1.000000e+00 : f32
      %sub3A_97 = arith.subf %sub3A_96, %div3A_95 : f32
      %add3A_98 = arith.addf %add3A_88, %sub3A_97 : f32
      %broadcast_in_dim3A_99 = vector.broadcast %add3A_98 : f32 to vector<1x1xf32>
      %swap3A_100 = arith.constant 0 : index
      %swap3A_101 = arith.constant 0 : index
      %swap3A_102 = vector.load %arg7[%swap3A_100, %swap3A_101] : memref<1x1xf32, #tpu.memory_space<vmem>>, vector<1x1xf32>
      tpu.vector_store %arg7[%swap3A_100, %swap3A_101], %broadcast_in_dim3A_99 {strides = array<i32>} : memref<1x1xf32, #tpu.memory_space<vmem>>, vector<1x1xf32>,
    } else {
    }
    %gt3A = arith.constant 0 : i32
    %gt3A_43 = arith.cmpi sgt, %arg0, %gt3A : i32
    %convert_element_type3A_44 = arith.extui %gt3A_43 : i1 to i32
    %cond3A_45 = arith.constant 0 : i32
    %cond3A_46 = arith.cmpi ne, %convert_element_type3A_44, %cond3A_45 : i32
    scf.if %cond3A_46 {
      %get3A_47 = arith.constant 0 : index
      %get3A_48 = arith.constant 0 : index
      %get3A_49 = vector.load %arg5[%get3A_47, %get3A_48] : memref<256x1xf32, #tpu.memory_space<vmem>>, vector<256x1xf32>
      %add3A_50 = arith.addf %get3A_49, %broadcast_in_dim3A_35 : vector<256x1xf32>
      %swap3A = arith.constant 0 : index
      %swap3A_51 = arith.constant 0 : index
      %swap3A_52 = vector.load %arg5[%swap3A, %swap3A_51] : memref<256x1xf32, #tpu.memory_space<vmem>>, vector<256x1xf32>
      tpu.vector_store %arg5[%swap3A, %swap3A_51], %add3A_50 {strides = array<i32>} : memref<256x1xf32, #tpu.memory_space<vmem>>, vector<256x1xf32>,
      %get3A_53 = arith.constant 0 : index
      %get3A_54 = arith.constant 0 : index
      %get3A_55 = vector.load %arg6[%get3A_53, %get3A_54] : memref<256x1xf32, #tpu.memory_space<vmem>>, vector<256x1xf32>
      %add3A_56 = arith.addf %get3A_55, %broadcast_in_dim3A_39 : vector<256x1xf32>
      %swap3A_57 = arith.constant 0 : index
      %swap3A_58 = arith.constant 0 : index
      %swap3A_59 = vector.load %arg6[%swap3A_57, %swap3A_58] : memref<256x1xf32, #tpu.memory_space<vmem>>, vector<256x1xf32>
      tpu.vector_store %arg6[%swap3A_57, %swap3A_58], %add3A_56 {strides = array<i32>} : memref<256x1xf32, #tpu.memory_space<vmem>>, vector<256x1xf32>,
    } else {
    }
    return
  }
  func.func @transform_0(%arg0: i32) -> (i32, i32) {
    %c0_i32 = arith.constant 0 : i32
    %c0_i32_0 = arith.constant 0 : i32
    %c0_i32_1 = arith.constant 0 : i32
    return %c0_i32, %c0_i32_0 : i32, i32
  }
  func.func @transform_1(%arg0: i32) -> (i32, i32) {
    %c0_i32 = arith.constant 0 : i32
    %c0_i32_0 = arith.constant 0 : i32
    %c0_i32_1 = arith.constant 0 : i32
    return %c0_i32, %c0_i32_0 : i32, i32
  }
  func.func @transform_2(%arg0: i32) -> (i32, i32) {
    %c0_i32 = arith.constant 0 : i32
    %c0_i32_0 = arith.constant 0 : i32
    return %arg0, %c0_i32 : i32, i32
  }
  func.func @transform_3(%arg0: i32) -> (i32, i32) {
    %c0_i32 = arith.constant 0 : i32
    %c0_i32_0 = arith.constant 0 : i32
    return %arg0, %c0_i32 : i32, i32
  }
  func.func @transform_4(%arg0: i32) -> (i32, i32) {
    %c0_i32 = arith.constant 0 : i32
    %c0_i32_0 = arith.constant 0 : i32
    %c0_i32_1 = arith.constant 0 : i32
    return %c0_i32, %c0_i32_0 : i32, i32
  }
  func.func @transform_5(%arg0: i32) -> (i32, i32) {
    %c0_i32 = arith.constant 0 : i32
    %c0_i32_0 = arith.constant 0 : i32
    %c0_i32_1 = arith.constant 0 : i32
    return %c0_i32, %c0_i32_0 : i32, i32
  }
  func.func @transform_6(%arg0: i32) -> (i32, i32) {
    %c0_i32 = arith.constant 0 : i32
    %c0_i32_0 = arith.constant 0 : i32
    %c0_i32_1 = arith.constant 0 : i32
    return %c0_i32, %c0_i32_0 : i32, i32
  }
}

</mosaic_0001>

<sc_bundles>
// kernel: kernel.5.cloned.1.call-start
scs
__scs_entry_jumppad:
0x0: {  	(pc) =	sbr.rel $0x88, $3  }
0x1: {  	(tag) =	ssettag $0x0;
	lr =	simm.s32 $0x1  }
0x2: {  	[smem:$0x3F9C] =	sst lr;
	_ =	strace $0xD0000000  }
0x3: {  	_ = 	snop  }
0x4: {  	_ = 	snop  }
0x5: {  	_ = 	snop  }
0x6: {  	_ = 	snop  }
0x7: {  	_ = 	snop  }
__scs_overlays_trampoline_lowered:
0x8: {  	[smem:$0x3FAB] =	sst s0  }
0x9: {  	[smem:$0x3FAC] =	sst s1  }
0xa: {  	[smem:$0x3FAD] =	sst s2  }
0xb: {  	[smem:$0x3FAE] =	sst s3  }
0xc: {  	[smem:$0x3FAF] =	sst s4  }
0xd: {  	[smem:$0x3FB0] =	sst s5  }
0xe: {  	[smem:$0x3FB1] =	sst s6  }
0xf: {  	[smem:$0x3FB2] =	sst s7  }
0x10: {  	[smem:$0x3FB3] =	sst s8  }
0x11: {  	[smem:$0x3FB4] =	sst s9;
	s0 =	simm.s32 @!p0 $0x0  }
0x12: {  	s1 =	sld [smem:$0x3F9A];
	s0 =	simm.s32 @p0 $0x1  }
0x13: {  	[smem:$0x3FB5] =	sst s0;
	s0 =	simm.s32 @!p1 $0x0  }
0x14: {  	s2 =	sld [smem:$0x3F99];
	s0 =	simm.s32 @p1 $0x1  }
0x15: {  	[smem:$0x3FB6] =	sst s0;
	s0 =	simm.s32 @!p2 $0x0  }
0x16: {  	s3 =	sld [smem:$0x3FDB];
	s0 =	simm.s32 @p2 $0x1  }
0x17: {  	s4 =	simm.s32 $0x1BF5;
	[smem:$0x3FB8] =	sst s0  }
0x18: {  	s0 =	sld [smem:$0x3F9B];
	_ =	swait.ge [sflag:s4], $0x0  }
0x19: {  	s7 =	sld [smem:$0x3F9C]  }
0x1a: {  	s8 =	sadd.s32 $0xFFFFE003, lr  }
0x1b: {  	s9 =	sadd.s32 $0xFFFFFEF7, lr;
	s5 =	simm.s32 $0xFFFFFFFF;
	p2 =	slt.u32 s8, $0xFFFFF086  }
0x1c: {  	p1 =	slt.u32 s9, $0xF7A;
	s5 =	simm.s32 @!p2 $0x0  }
0x1d: {  	s5 =	simm.s32 @p1 $0x1;
	p0 =	seq.s32 s7, s2  }
0x1e: {  	s7 =	smul.u32 @!p0 $0xF7A, s2;
	p2 =	seq.s32 @!p0 s5, $0x0  }
0x1f: {  	s9 =	smul.u32 $0xF7A, s1;
	s8 =	simm.s32 @!p0 $0x1BF5;
	p2 =	por !p2, p0  }
0x20: {  	[sflag:s8] =	ssyncset.s32 @!p0 $0xFFFFF086;
	s6 =	sadd.s32 @!p0 s3, s7;
	s7 =	simm.s32 @!p0 $0x108  }
0x21: {  	s3 =	sadd.s32 s3, s9;
	s6 =	sadd.s32 @!p0 $0x88, s6;
	s7 =	simm.s32 @p2 $0x1082  }
0x22: {  	[simem:s7], [sflag:s8] =	dma.local @!p0 [hbm:s6], $0xF7A  }
0x23: {  	s9 =	sor.u32 $0xD0000000, s2;
	s6 =	simm.s32 $0x108;
	_ =	swait.ge @!p0 [sflag:s8], $0x0  }
0x24: {  	s3 =	sadd.s32 $0x88, s3;
	s6 =	simm.s32 @!p1 $0x1082;
	[sflag:s4] =	ssyncset.s32 $0xFFFFF086  }
0x25: {  	[simem:s6], [sflag:s4] =	dma.local [hbm:s3], $0xF7A  }
0x26: {  	[smem:$0x3F9C] =	sst s1;
	(tag) =	ssettag s2;
	_ =	strace s9  }
0x27: {  	s1 =	sld [smem:$0x3FAC]  }
0x28: {  	s2 =	sld [smem:$0x3FAD]  }
0x29: {  	s4 =	sld [smem:$0x3FAF]  }
0x2a: {  	p0 =	seq.s32 s5, $0x0;
	s5 =	sld [smem:$0x3FB0]  }
0x2b: {  	s6 =	sld [smem:$0x3FB1]  }
0x2c: {  	s7 =	sld [smem:$0x3FB2]  }
0x2d: {  	s3 =	simm.s32 $0x108;
	s8 =	sld [smem:$0x3FB3]  }
0x2e: {  	s3 =	simm.s32 @!p0 $0x1082;
	s9 =	sld [smem:$0x3FB4]  }
0x2f: {  	lr =	sadd.s32 s0, s3;
	s0 =	sld [smem:$0x3FAB]  }
0x30: {  	s3 =	sld [smem:$0x3FAE]  }
0x31: {  	[smem:$0x3FB7] =	sst s10  }
0x32: {  	s10 =	sld [smem:$0x3FB5];
	_ =	sdelay $0x3  }
0x33: {  	p0 =	seq.s32 s10, $0x1;
	s10 =	sld [smem:$0x3FB7];
	_ =	sdelay $0x3  }
0x34: {  	[smem:$0x3FB7] =	sst s10  }
0x35: {  	s10 =	sld [smem:$0x3FB6];
	_ =	sdelay $0x3  }
0x36: {  	p1 =	seq.s32 s10, $0x1;
	s10 =	sld [smem:$0x3FB7];
	_ =	sdelay $0x3  }
0x37: {  	[smem:$0x3FB7] =	sst s10  }
0x38: {  	s10 =	sld [smem:$0x3FB8]  }
0x39: {  	_ = 	snop;
	(pc) =	sbr.ind lr, $3  }
0x3a: {  	_ = 	snop  }
0x3b: {  	_ = 	snop  }
0x3c: {  	p2 =	seq.s32 s10, $0x1;
	s10 =	sld [smem:$0x3FB7]  }
0x3d: {  	_ =	shalt  }
0x3e: {  	_ =	shalt  }
0x3f: {  	_ =	shalt  }
0x40: {  	_ =	shalt  }
0x41: {  	_ =	shalt  }
0x42: {  	_ =	shalt  }
0x43: {  	_ =	shalt  }
0x44: {  	_ =	shalt  }
0x45: {  	_ =	shalt  }
0x46: {  	_ =	shalt  }
0x47: {  	_ =	shalt  }
0x48: {  	_ =	shalt  }
0x49: {  	_ =	shalt  }
0x4a: {  	_ =	shalt  }
0x4b: {  	_ =	shalt  }
0x4c: {  	_ =	shalt  }
0x4d: {  	_ =	shalt  }
0x4e: {  	_ =	shalt  }
0x4f: {  	_ =	shalt  }
0x50: {  	_ =	shalt  }
0x51: {  	_ =	shalt  }
0x52: {  	_ =	shalt  }
0x53: {  	_ =	shalt  }
0x54: {  	_ =	shalt  }
0x55: {  	_ =	shalt  }
0x56: {  	_ =	shalt  }
0x57: {  	_ =	shalt  }
0x58: {  	_ =	shalt  }
0x59: {  	_ =	shalt  }
0x5a: {  	_ =	shalt  }
0x5b: {  	_ =	shalt  }
0x5c: {  	_ =	shalt  }
0x5d: {  	_ =	shalt  }
0x5e: {  	_ =	shalt  }
0x5f: {  	_ =	shalt  }
0x60: {  	_ =	shalt  }
0x61: {  	_ =	shalt  }
0x62: {  	_ =	shalt  }
0x63: {  	_ =	shalt  }
0x64: {  	_ =	shalt  }
0x65: {  	_ =	shalt  }
0x66: {  	_ =	shalt  }
0x67: {  	_ =	shalt  }
0x68: {  	_ =	shalt  }
0x69: {  	_ =	shalt  }
0x6a: {  	_ =	shalt  }
0x6b: {  	_ =	shalt  }
0x6c: {  	_ =	shalt  }
0x6d: {  	_ =	shalt  }
0x6e: {  	_ =	shalt  }
0x6f: {  	_ =	shalt  }
0x70: {  	_ =	shalt  }
0x71: {  	_ =	shalt  }
0x72: {  	_ =	shalt  }
0x73: {  	_ =	shalt  }
0x74: {  	_ =	shalt  }
0x75: {  	_ =	shalt  }
0x76: {  	_ =	shalt  }
0x77: {  	_ =	shalt  }
0x78: {  	_ =	shalt  }
0x79: {  	_ =	shalt  }
0x7a: {  	_ =	shalt  }
0x7b: {  	_ =	shalt  }
0x7c: {  	_ =	shalt  }
0x7d: {  	_ =	shalt  }
0x7e: {  	_ =	shalt  }
0x7f: {  	_ =	shalt  }
0x80: {  	_ =	shalt  }
0x81: {  	_ =	shalt  }
0x82: {  	_ =	shalt  }
0x83: {  	_ =	shalt  }
0x84: {  	_ =	shalt  }
0x85: {  	_ =	shalt  }
0x86: {  	_ =	shalt  }
0x87: {  	_ =	shalt  }
.Lfunc_end0:
.L_simem_size_0:
called_computation_lowered:
.L_overlay_start_0:
0x88: {  	s2 =	sld [smem:$0x3FD9]  }
0x89: {  	s3 =	sld [smem:$0x3FFE];
	_ =	sdelay $0x1  }
0x8a: {  	s1 =	srdreg.scid  }
0x8b: {  	s0 =	sand.u32 $0x1, s1  }
0x8c: {  	s17 =	sshll.u32 s0, $0xA;
	s2 =	sadd.s32 s3, s2  }
0x8d: {  	s2 =	sadd.s32 s2, s17  }
0x8e: {  	[smem:$0x3FC3] =	sst s2  }
0x8f: {  	_ = 	snop  }
0x90: {  	s2 =	sld [smem:$0x3FC9]  }
0x91: {  	s18 =	sld [smem:$0x3FC8]  }
0x92: {  	s4 =	sld [smem:$0x3FC6]  }
0x93: {  	s5 =	sld [smem:$0x3FC5];
	(tm) =	ssettm $0x1  }
0x94: {  	s6 =	sld [smem:$0x3FFB];
	_ =	sdelay $0x3  }
0x95: {  	_ =	strace s6  }
0x96: {  	s6 =	sld [smem:$0x3FFC];
	_ =	sdelay $0x3  }
0x97: {  	_ =	strace s6  }
0x98: {  	s6 =	sld [smem:$0x3FFD];
	_ =	sdelay $0x3  }
0x99: {  	_ =	strace s6  }
0x9a: {  	_ =	strace $0x8FFFFFFF  }
0x9b: {  	s19 =	sld [smem:$0x3FDB];
	_ =	sdelay $0x1  }
0x9c: {  	s7 =	simm.s32 $_scs_section_size  }
0x9d: {  	s8 =	simm.s32 $_size__tile_overlayer_lowered;
	s9 =	simm.s32 $_tile_overlayer_lowered  }
0x9e: {  	s22 =	simm.s32 $0x1BFF;
	s21 =	sshll.u32 s9, $0x1;
	s6 =	sadd.s32 s7, s19  }
0x9f: {  	s10 =	simm.s32 $0x0;
	s20 =	sshll.u32 s8, $0x1;
	s8 =	sadd.s32 s21, s6  }
0xa0: {  	[timem:s10], [sflag:s22] =	dma.local [hbm:s8], s20  }
0xa1: {  	_ =	swait.ge [sflag:s22], s20  }
0xa2: {  	s7 =	ssub.s32 $0x0, s20;
	[sflag:s22] =	ssyncset.done $0x0  }
0xa3: {  	[sflag:s22] =	ssyncadd.s32 s7;
	_ =	sdelay $0x1  }
0xa4: {  	s23 =	simm.s32 $0x1B8B  }
0xa5: {  	_ =	swait.ge [sflag:s23], $0x1  }
0xa6: {  	[sflag:s23] =	ssyncset.done $0x0  }
0xa7: {  	s25 =	simm.s32 $0x1B8E;
	s24 =	sld [smem:$0x3FFE];
	[sflag:s23] =	ssyncadd.s32 $0xFFFFFFFF  }
0xa8: {  	s26 =	simm.s32 $execute0_lowered;
	[smem:$0x3FD2] =	sst s25  }
0xa9: {  	s8 =	sshll.u32 s26, $0x1;
	_ =	strace $0x80000046;
	[dreg:$0x1] =	wrdreg $0xFFFFFFFF  }
0xaa: {  	s28 =	simm.s32 $_size_execute0_lowered;
	s6 =	sadd.s32 s6, s8;
	[dreg:$0x0] =	wrdreg $0x0  }
0xab: {  	s8 =	sshll.u32 s28, $0x1;
	[dreg:$0x2] =	wrdreg s6  }
0xac: {  	[dreg:$0x3] =	wrdreg s8  }
0xad: {  	[dreg:$0x4] =	wrdreg $0xC0  }
0xae: {  	_ =	task [dreg:s10], $0x5FFFF  }
0xaf: {  	[dreg:$0x1] =	wrdreg $0xFFFFFFFF  }
0xb0: {  	[dreg:$0x0] =	wrdreg $0x60  }
0xb1: {  	[dreg:$0x2] =	wrdreg s24  }
0xb2: {  	[dreg:$0x3] =	wrdreg s18  }
0xb3: {  	[dreg:$0x4] =	wrdreg s2  }
0xb4: {  	[dreg:$0x5] =	wrdreg s4  }
0xb5: {  	[dreg:$0x6] =	wrdreg s5  }
0xb6: {  	[dreg:$0x7] =	wrdreg $0x9  }
0xb7: {  	_ =	task.clear_ibuf [dreg:s10], $0x8FFFF;
	_ =	strace $0x90000046  }
0xb8: {  	s29 =	simm.s32 $0x9;
	_ =	strace $0x80000048  }
0xb9: {  	_ =	swait.ge [sflag:s29], $0x1  }
0xba: {  	[sflag:s29] =	ssyncadd.s32 $0xFFFFFFFF  }
0xbb: {  	_ =	strace $0x90000048  }
0xbc: {  	_ =	sfence  }
0xbd: {  	s30 =	sld [smem:$0x0];
	_ =	sdelay $0x2  }
0xbe: {  	s31 =	sshll.u32 s1, $0xD;
	s1 =	sshrl.u32 s1, $0x2  }
0xbf: {  	s3 =	sand.u32 $0x4000, s31;
	s1 =	sadd.s32 s1, s30  }
0xc0: {  	s0 =	sor.u32 s3, s0;
	s1 =	sshll.u32 s1, $0x11  }
0xc1: {  	s0 =	sor.u32 s1, s0  }
0xc2: {  	s0 =	sadd.s32 $0x8F2B, s0  }
0xc3: {  	[sflag:s0] =	ssyncadd.remote.s32 $0x1  }
0xc4: {  	_ =	sfence.sel $0xFFFF  }
0xc5: {  	[dreg:$0x0] =	wrdreg $0xFFFFFFFF;
	(pc) =	sbr.abs _section_cstart, $3  }
0xc6: {  	[dreg:$0x1] =	wrdreg $0xFFFFFFFF  }
0xc7: {  	_ =	task.clear_ibuf [dreg:s10], $0x2FFFF;
	_ =	strace $0x9FFFFFFF  }
0xc8: {  	(tm) =	ssettm $0x7FFFFFFF  }
0xc9: {  	_ =	shalt  }
tec
execute0_lowered:
.L_overlay_start_1:
0x0: {  	(tag) =	ssettag $0x1  }
0x1: {  	s0 =	rddreg [dreg:$0x0]  }
0x2: {  	s1 =	rddreg [dreg:$0x1]  }
0x3: {  	s2 =	rddreg [dreg:$0x2]  }
0x4: {  	s12 =	rddreg [dreg:$0x3]  }
0x5: {  	s19 =	rddreg [dreg:$0x4];
	s3 =	srdreg.scid;
	s4 =	simm.s32 $0x0  }
0x6: {  	s5 =	stileid.u32;
	s25 =	simm.s32 $0x3;
	s31 =	simm.s32 $0x1  }
0x7: {  	s26 =	simm.s32 $0x0;
	s3 =	sand.u32 $0x1, s3;
	[smem:$0x7FF] =	sst s4  }
0x8: {  	s5 =	sshll.u32 s5, $0x4;
	s30 =	sadd.s32 $0x100, s12;
	s8 =	sadd.s32 $0x300, s12  }
0x9: {  	s9 =	sadd.s32 $0x400, s12;
	s10 =	sadd.s32 $0x500, s12;
	s11 =	sadd.s32 $0x600, s12  }
0xa: {  	s13 =	sadd.s32 $0x100, s19;
	s14 =	sadd.s32 $0x200, s19;
	s15 =	sadd.s32 $0x300, s19  }
0xb: {  	s16 =	sadd.s32 $0x400, s19;
	s17 =	sadd.s32 $0x500, s19;
	s18 =	sadd.s32 $0x600, s19  }
0xc: {  	s19 =	sadd.s32 $0x700, s19;
	s6 =	sshll.u32 s3, $0x3;
	_ =	strace $0x80000047  }
0xd: {  	s3 =	ssub.s32 $0x2, s3;
	[dreg:$0x7] =	wrdreg s30;
	s5 =	sor.u32 s6, s5  }
0xe: {  	s29 =	sshrl.u32 s3, $0x1;
	s6 =	sshrl.u32 s5, $0x3;
	s7 =	sshll.u32 s5, $0x4  }
0xf: {  	s3 =	ssub.s32 s3, s29;
	s5 =	sshll.u32 s5, $0x8;
	s6 =	sadd.s32 s6, s0  }
0x10: {  	s0 =	sadd.s32 s7, s0;
	s7 =	sadd.s32 $0x200, s12;
	s12 =	sadd.s32 $0x700, s12  }
0x11: {  	v0 =	vlaneseq.u32;
	s20 =	sadd.s32 s1, s5;
	s21 =	sadd.s32 s2, s5;
	s24 =	smax.u32 s3, $0x1  }
0x12: {  	v1 =	vshrl.u32 v0, $0x3;
	s2 =	simm.s32 $0x2;
	s6 =	sadd.s32 $0x1600, s6;
	s22 =	sadd.s32 $0x1800, s0  }
0x13: {  	vm0 =	vmmov $0xffff;
	v0 =	vand.u32 $0x7, v0;
	v1 =	vmul.u32 $0x8, v1;
	s23 =	sadd.s32 $0x2800, s0;
	s0 =	simm.s32 $0x10080;
	[dreg:$0x6] =	wrdreg s6  }
.LBB2_1:
0x14: {  	s1 =	rddreg [dreg:$0x6]  }
0x15: {  	[tilespmem:s4], [sflag:$0x3] =	stream.linear.gather [hbm4b:s1+s4], $0x8, $0x38;
	[tilespmem:$0x10480] =	vst v63  }
0x16: {  	_ =	swait.ge [sflag:s25], $0x8  }
0x17: {  	[sflag:s25] =	ssyncset.done $0x0  }
0x18: {  	[sflag:s25] =	ssyncadd.s32 $0xFFFFFFF8  }
0x19: {  	v2 =	vld.msk [tilespmem:$0x0], $0xff;
	_ =	sdelay $0x4  }
0x1a: {  	v3 =	vshll.u32 v2, $0x4  }
0x1b: {  	v2 =	vand.u32 $0x7, v2;
	v3 =	vand.u32 $0xFFFFFF80, v3  }
0x1c: {  	v2 =	vor.u32 v2, v3  }
0x1d: {  	v2 =	vperm.xlane v2, v0;
	_ =	sdelay $0x1  }
0x1e: {  	v2 =	vadd.s32 v1, v2;
	_ =	sdelay $0x3  }
0x1f: {  	s3 =	simm.s32 $0x80;
	s6 =	rddreg [dreg:$0x3]  }
0x20: {  	[tilespmem:s3], [sflag:$0x1] =	stream.indirect_vreg.gather [hbm4b:s6+s4], $0x80, v2, vm0, $0xb8;
	[tilespmem:$0x10480] =	vst v63  }
0x21: {  	s5 =	rddreg [dreg:$0x7];
	s6 =	simm.s32 $0x880  }
0x22: {  	[tilespmem:s6], [sflag:$0x1] =	stream.indirect_vreg.gather [hbm4b:s5+s4], $0x80, v2, vm0, $0xb8;
	[tilespmem:$0x10480] =	vst v63  }
0x23: {  	s5 =	simm.s32 $0x1080  }
0x24: {  	[tilespmem:s5], [sflag:$0x1] =	stream.indirect_vreg.gather [hbm4b:s7+s4], $0x80, v2, vm0, $0xb8;
	[tilespmem:$0x10480] =	vst v63  }
0x25: {  	s6 =	simm.s32 $0x1880  }
0x26: {  	[tilespmem:s6], [sflag:$0x1] =	stream.indirect_vreg.gather [hbm4b:s8+s4], $0x80, v2, vm0, $0xb8;
	[tilespmem:$0x10480] =	vst v63  }
0x27: {  	s3 =	simm.s32 $0x2080  }
0x28: {  	[tilespmem:s3], [sflag:$0x1] =	stream.indirect_vreg.gather [hbm4b:s9+s4], $0x80, v2, vm0, $0xb8;
	[tilespmem:$0x10480] =	vst v63  }
0x29: {  	s5 =	simm.s32 $0x2880  }
0x2a: {  	[tilespmem:s5], [sflag:$0x1] =	stream.indirect_vreg.gather [hbm4b:s10+s4], $0x80, v2, vm0, $0xb8;
	[tilespmem:$0x10480] =	vst v63  }
0x2b: {  	s6 =	simm.s32 $0x3080  }
0x2c: {  	[tilespmem:s6], [sflag:$0x1] =	stream.indirect_vreg.gather [hbm4b:s11+s4], $0x80, v2, vm0, $0xb8;
	[tilespmem:$0x10480] =	vst v63  }
0x2d: {  	s3 =	simm.s32 $0x3880  }
0x2e: {  	[tilespmem:s3], [sflag:$0x1] =	stream.indirect_vreg.gather [hbm4b:s12+s4], $0x80, v2, vm0, $0xb8;
	[tilespmem:$0x10480] =	vst v63  }
0x2f: {  	v2 =	vld.msk [tilespmem:$0x0], $0xff;
	_ =	sdelay $0x4  }
0x30: {  	v3 =	vshll.u32 v2, $0x4  }
0x31: {  	v2 =	vand.u32 $0x7, v2;
	v3 =	vand.u32 $0xFFFFFF80, v3  }
0x32: {  	v2 =	vor.u32 v2, v3  }
0x33: {  	v2 =	vperm.xlane v2, v0;
	_ =	sdelay $0x1  }
0x34: {  	v2 =	vadd.s32 v1, v2;
	_ =	sdelay $0x3  }
0x35: {  	s5 =	rddreg [dreg:$0x4];
	s6 =	simm.s32 $0x4080  }
0x36: {  	[tilespmem:s6], [sflag:$0x2] =	stream.indirect_vreg.gather [hbm4b:s5+s4], $0x80, v2, vm0, $0xb8;
	[tilespmem:$0x10480] =	vst v63  }
0x37: {  	s3 =	simm.s32 $0x4880  }
0x38: {  	[tilespmem:s3], [sflag:$0x2] =	stream.indirect_vreg.gather [hbm4b:s13+s4], $0x80, v2, vm0, $0xb8;
	[tilespmem:$0x10480] =	vst v63  }
0x39: {  	s5 =	simm.s32 $0x5080  }
0x3a: {  	[tilespmem:s5], [sflag:$0x2] =	stream.indirect_vreg.gather [hbm4b:s14+s4], $0x80, v2, vm0, $0xb8;
	[tilespmem:$0x10480] =	vst v63  }
0x3b: {  	s6 =	simm.s32 $0x5880  }
0x3c: {  	[tilespmem:s6], [sflag:$0x2] =	stream.indirect_vreg.gather [hbm4b:s15+s4], $0x80, v2, vm0, $0xb8;
	[tilespmem:$0x10480] =	vst v63  }
0x3d: {  	s3 =	simm.s32 $0x6080  }
0x3e: {  	[tilespmem:s3], [sflag:$0x2] =	stream.indirect_vreg.gather [hbm4b:s16+s4], $0x80, v2, vm0, $0xb8;
	[tilespmem:$0x10480] =	vst v63  }
0x3f: {  	s5 =	simm.s32 $0x6880  }
0x40: {  	[tilespmem:s5], [sflag:$0x2] =	stream.indirect_vreg.gather [hbm4b:s17+s4], $0x80, v2, vm0, $0xb8;
	[tilespmem:$0x10480] =	vst v63  }
0x41: {  	s6 =	simm.s32 $0x7080  }
0x42: {  	[tilespmem:s6], [sflag:$0x2] =	stream.indirect_vreg.gather [hbm4b:s18+s4], $0x80, v2, vm0, $0xb8;
	[tilespmem:$0x10480] =	vst v63  }
0x43: {  	s3 =	simm.s32 $0x7880  }
0x44: {  	[tilespmem:s3], [sflag:$0x2] =	stream.indirect_vreg.gather [hbm4b:s19+s4], $0x80, v2, vm0, $0xb8;
	[tilespmem:$0x10480] =	vst v63  }
0x45: {  	s5 =	simm.s32 $0x8080  }
0x46: {  	[tilespmem:s5], [sflag:$0x3] =	stream.linear.gather [hbm4b:s20+s4], $0x4000, $0x38;
	[tilespmem:$0x10480] =	vst v63  }
0x47: {  	_ =	swait.ge [sflag:s25], $0x4000  }
0x48: {  	[sflag:s25] =	ssyncset.done $0x0  }
0x49: {  	s6 =	simm.s32 $0xC080;
	[sflag:s25] =	ssyncadd.s32 $0xFFFFC000  }
0x4a: {  	[tilespmem:s6], [sflag:$0x3] =	stream.linear.gather [hbm4b:s21+s4], $0x4000, $0x38;
	[tilespmem:$0x10480] =	vst v63  }
0x4b: {  	_ =	swait.ge [sflag:s25], $0x4000  }
0x4c: {  	[sflag:s25] =	ssyncset.done $0x0  }
0x4d: {  	[sflag:s25] =	ssyncadd.s32 $0xFFFFC000  }
0x4e: {  	_ =	swait.ge [sflag:s31], $0x4000  }
0x4f: {  	s3 =	sand.u32 $0x40, s4;
	s5 =	sand.u32 $0x3C00, s4;
	[sflag:s31] =	ssyncset.done $0x0  }
0x50: {  	s1 =	sor.u32 s3, s5;
	[sflag:s31] =	ssyncadd.s32 $0xFFFFC000  }
0x51: {  	v2 =	vld [tilespmem:s1+$0xB0]  }
0x52: {  	v3 =	vld [tilespmem:s1+$0x80B0]  }
0x53: {  	v4 =	vld [tilespmem:s1+$0x130]  }
0x54: {  	v5 =	vld [tilespmem:s1+$0x8130]  }
0x55: {  	v7 =	vld [tilespmem:s1+$0x1B0]  }
0x56: {  	v9 =	vld [tilespmem:s1+$0x81B0]  }
0x57: {  	v10 =	vld [tilespmem:s1+$0x230]  }
0x58: {  	v11 =	vld [tilespmem:s1+$0x8230]  }
0x59: {  	v14 =	vld [tilespmem:s1+$0xA0]  }
0x5a: {  	v17 =	vld [tilespmem:s1+$0x80A0]  }
0x5b: {  	v31 =	vld [tilespmem:s1+$0x120]  }
0x5c: {  	v32 =	vld [tilespmem:s1+$0x8120]  }
0x5d: {  	v33 =	vld [tilespmem:s1+$0x1A0]  }
0x5e: {  	v34 =	vld [tilespmem:s1+$0x81A0]  }
0x5f: {  	v37 =	vld [tilespmem:s1+$0x220]  }
0x60: {  	v38 =	vld [tilespmem:s1+$0x8220]  }
0x61: {  	v39 =	vld [tilespmem:s1+$0x90]  }
0x62: {  	v40 =	vld [tilespmem:s1+$0x8090]  }
0x63: {  	v41 =	vld [tilespmem:s1+$0x110]  }
0x64: {  	v43 =	vld [tilespmem:s1+$0x8110]  }
0x65: {  	v44 =	vld [tilespmem:s1+$0x190]  }
0x66: {  	v45 =	vld [tilespmem:s1+$0x8190]  }
0x67: {  	v46 =	vld [tilespmem:s1+$0x210]  }
0x68: {  	v47 =	vld [tilespmem:s1+$0x8210]  }
0x69: {  	v48 =	vld [tilespmem:s1+$0x80]  }
0x6a: {  	v49 =	vld [tilespmem:s1+$0x8080]  }
0x6b: {  	v50 =	vld [tilespmem:s1+$0x100]  }
0x6c: {  	p0 =	por $0x0, $0x0;
	s3 =	simm.s32 $0x1;
	v51 =	vld [tilespmem:s1+$0x8100]  }
0x6d: {  	s3 =	simm.s32 @!p0 $0x0;
	v52 =	vld [tilespmem:s1+$0x180]  }
0x6e: {  	s3 =	sshll.u32 s3, $0x6;
	v53 =	vld [tilespmem:s1+$0x8180]  }
0x6f: {  	s3 =	sadd.s32 $0x0, s3;
	v54 =	vld [tilespmem:s1+$0x200]  }
0x70: {  	s6 =	sor.u32 $0x200, s3;
	v55 =	vld [tilespmem:s1+$0x8200]  }
0x71: {  	v20 =	vld [tilespmem:s6+$0x80]  }
0x72: {  	s5 =	sor.u32 $0x280, s3;
	v24 =	vld [tilespmem:s6+$0x8080]  }
0x73: {  	v26 =	vld [tilespmem:s5+$0x80]  }
0x74: {  	v29 =	vld [tilespmem:s5+$0x8080];
	s6 =	sor.u32 $0x300, s3  }
0x75: {  	v25 =	vld [tilespmem:s6+$0x80]  }
0x76: {  	s5 =	sor.u32 $0x380, s3;
	v28 =	vld [tilespmem:s6+$0x8080]  }
0x77: {  	s30 =	sadd.s32 $0x30, s3;
	v22 =	vld [tilespmem:s5+$0x80]  }
0x78: {  	v27 =	vld [tilespmem:s5+$0x8080];
	s6 =	sor.u32 $0x200, s30  }
0x79: {  	v19 =	vld [tilespmem:s6+$0x80]  }
0x7a: {  	s5 =	sor.u32 $0x280, s30;
	v23 =	vld [tilespmem:s6+$0x8080]  }
0x7b: {  	s1 =	sadd.s32 $0x20, s3;
	v18 =	vld [tilespmem:s5+$0x80]  }
0x7c: {  	s28 =	sor.u32 $0x200, s1;
	v21 =	vld [tilespmem:s5+$0x8080]  }
0x7d: {  	s5 =	sor.u32 $0x300, s30;
	v30 =	vld [tilespmem:s28+$0x80];
	v15 =	vmul.f32 v3, v2;
	v16 =	vmul.f32 v5, v4  }
0x7e: {  	v6 =	vld [tilespmem:s5+$0x80];
	v13 =	vmul.f32 v9, v7;
	v12 =	vmul.f32 v11, v10  }
0x7f: {  	v8 =	vld [tilespmem:s5+$0x8080];
	v35 =	vmul.f32 v17, v14;
	v36 =	vmul.f32 v32, v31  }
0x80: {  	s6 =	sor.u32 $0x280, s1;
	v31 =	vld [tilespmem:s28+$0x8080];
	v33 =	vmul.f32 v34, v33;
	v34 =	vmul.f32 v38, v37  }
0x81: {  	v32 =	vld [tilespmem:s6+$0x80];
	v42 =	vmul.f32 v40, v39;
	v43 =	vmul.f32 v43, v41  }
0x82: {  	v37 =	vld [tilespmem:s6+$0x8080];
	s6 =	sor.u32 $0x300, s1;
	v40 =	vmul.f32 v45, v44;
	v41 =	vmul.f32 v47, v46  }
0x83: {  	s3 =	sadd.s32 $0x10, s3;
	v7 =	vimm.f32 $0.0e+00;
	v46 =	vmul.f32 v49, v48;
	v47 =	vmul.f32 v51, v50;
	v14 =	vld [tilespmem:s6+$0x80]  }
0x84: {  	s28 =	sor.u32 $0x200, s3;
	v44 =	vmul.f32 v53, v52;
	v45 =	vmul.f32 v55, v54;
	v9 =	vimm.f32 $0.0e+00;
	v17 =	vld [tilespmem:s6+$0x8080]  }
0x85: {  	v10 =	vimm.f32 $0.0e+00;
	v11 =	vimm.f32 $0.0e+00;
	v4 =	vimm.f32 $0.0e+00;
	v38 =	vld [tilespmem:s28+$0x80]  }
0x86: {  	s29 =	simm.s32 $0x0;
	s5 =	sor.u32 $0x280, s3;
	v5 =	vimm.f32 $0.0e+00;
	v3 =	vimm.f32 $0.0e+00;
	v2 =	vimm.f32 $0.0e+00;
	v39 =	vld [tilespmem:s28+$0x8080];
	s28 =	simm.s32 $0x40  }
.LBB2_2:
0x87: {  	p1 =	sne.s32 s28, $0x7C0;
	v20 =	vmul.f32 v24, v20;
	v24 =	vmul.f32 v29, v26;
	v26 =	vld [tilespmem:s5+$0x80]  }
0x88: {  	v7 =	vadd.f32 v46, v7;
	v9 =	vadd.f32 v47, v9;
	v25 =	vmul.f32 v28, v25;
	v28 =	vld [tilespmem:s5+$0x8080];
	s5 =	sor.u32 $0x300, s3  }
0x89: {  	v22 =	vmul.f32 v27, v22;
	v10 =	vadd.f32 v44, v10;
	v11 =	vadd.f32 v45, v11;
	v27 =	vld [tilespmem:s5+$0x80]  }
0x8a: {  	v19 =	vmul.f32 v23, v19;
	s3 =	sor.u32 $0x380, s3;
	v7 =	vadd.f32 v42, v7;
	v9 =	vadd.f32 v43, v9;
	v29 =	vld [tilespmem:s5+$0x8080]  }
0x8b: {  	v18 =	vmul.f32 v21, v18;
	v10 =	vadd.f32 v40, v10;
	v11 =	vadd.f32 v41, v11;
	v23 =	vld [tilespmem:s3+$0x80]  }
0x8c: {  	v30 =	vmul.f32 v31, v30;
	s1 =	sor.u32 $0x380, s1;
	v7 =	vadd.f32 v35, v7;
	v9 =	vadd.f32 v36, v9;
	v21 =	vld [tilespmem:s3+$0x8080]  }
0x8d: {  	v31 =	vmul.f32 v37, v32;
	v10 =	vadd.f32 v33, v10;
	v11 =	vadd.f32 v34, v11;
	v32 =	vld [tilespmem:s1+$0x80]  }
0x8e: {  	s29 =	sadd.s32 $0x200, s29;
	v33 =	vmul.f32 v39, v38;
	s3 =	sor.u32 $0x380, s30;
	v7 =	vadd.f32 v15, v7;
	v9 =	vadd.f32 v16, v9;
	v34 =	vld [tilespmem:s1+$0x8080]  }
0x8f: {  	s5 =	sand.u32 $0x3C00, s29;
	v15 =	vmul.f32 v28, v26;
	s1 =	sand.u32 $0x40, s28;
	v10 =	vadd.f32 v13, v10;
	v11 =	vadd.f32 v12, v11;
	v12 =	vld [tilespmem:s3+$0x80]  }
0x90: {  	v4 =	vadd.f32 v20, v4;
	v5 =	vadd.f32 v24, v5;
	s1 =	sor.u32 s1, s5;
	v13 =	vmul.f32 v29, v27;
	v16 =	vld [tilespmem:s3+$0x8080]  }
0x91: {  	v3 =	vadd.f32 v25, v3;
	v2 =	vadd.f32 v22, v2;
	v35 =	vld [tilespmem:s1+$0xB0];
	v20 =	vmul.f32 v21, v23  }
0x92: {  	v14 =	vmul.f32 v17, v14;
	v4 =	vadd.f32 v33, v4;
	v5 =	vadd.f32 v15, v5;
	v36 =	vld [tilespmem:s1+$0x80B0]  }
0x93: {  	v3 =	vadd.f32 v13, v3;
	v17 =	vld [tilespmem:s1+$0x130];
	v2 =	vadd.f32 v20, v2;
	v13 =	vmul.f32 v34, v32  }
0x94: {  	v6 =	vmul.f32 v8, v6;
	v4 =	vadd.f32 v30, v4;
	v5 =	vadd.f32 v31, v5;
	v32 =	vld [tilespmem:s1+$0x8130]  }
0x95: {  	v3 =	vadd.f32 v14, v3;
	v33 =	vld [tilespmem:s1+$0x1B0];
	v2 =	vadd.f32 v13, v2;
	v8 =	vmul.f32 v16, v12  }
0x96: {  	v4 =	vadd.f32 v19, v4;
	v5 =	vadd.f32 v18, v5;
	v12 =	vld [tilespmem:s1+$0x81B0]  }
0x97: {  	v3 =	vadd.f32 v6, v3;
	v14 =	vld [tilespmem:s1+$0x230];
	v2 =	vadd.f32 v8, v2  }
0x98: {  	v34 =	vld [tilespmem:s1+$0x8230]  }
0x99: {  	v37 =	vld [tilespmem:s1+$0xA0]  }
0x9a: {  	v38 =	vld [tilespmem:s1+$0x80A0]  }
0x9b: {  	v39 =	vld [tilespmem:s1+$0x120]  }
0x9c: {  	v40 =	vld [tilespmem:s1+$0x8120]  }
0x9d: {  	v41 =	vld [tilespmem:s1+$0x1A0]  }
0x9e: {  	v42 =	vld [tilespmem:s1+$0x81A0]  }
0x9f: {  	v43 =	vld [tilespmem:s1+$0x220]  }
0xa0: {  	v44 =	vld [tilespmem:s1+$0x8220]  }
0xa1: {  	v45 =	vld [tilespmem:s1+$0x90]  }
0xa2: {  	v46 =	vld [tilespmem:s1+$0x8090]  }
0xa3: {  	v47 =	vld [tilespmem:s1+$0x110]  }
0xa4: {  	v48 =	vld [tilespmem:s1+$0x8110]  }
0xa5: {  	v49 =	vld [tilespmem:s1+$0x190]  }
0xa6: {  	v50 =	vld [tilespmem:s1+$0x8190]  }
0xa7: {  	v51 =	vld [tilespmem:s1+$0x210]  }
0xa8: {  	v52 =	vld [tilespmem:s1+$0x8210]  }
0xa9: {  	v53 =	vld [tilespmem:s1+$0x80]  }
0xaa: {  	v54 =	vld [tilespmem:s1+$0x8080]  }
0xab: {  	v55 =	vld [tilespmem:s1+$0x100]  }
0xac: {  	p0 =	por !p0, !p0;
	s3 =	simm.s32 $0x1;
	v56 =	vld [tilespmem:s1+$0x8100]  }
0xad: {  	s3 =	simm.s32 @!p0 $0x0;
	v57 =	vld [tilespmem:s1+$0x180]  }
0xae: {  	s3 =	sshll.u32 s3, $0x6;
	v58 =	vld [tilespmem:s1+$0x8180]  }
0xaf: {  	s3 =	sadd.s32 s3, s29;
	v59 =	vld [tilespmem:s1+$0x200]  }
0xb0: {  	v60 =	vld [tilespmem:s1+$0x8200];
	s1 =	sor.u32 $0x200, s3  }
0xb1: {  	v20 =	vld [tilespmem:s1+$0x80]  }
0xb2: {  	v24 =	vld [tilespmem:s1+$0x8080];
	s1 =	sor.u32 $0x280, s3  }
0xb3: {  	v26 =	vld [tilespmem:s1+$0x80]  }
0xb4: {  	v29 =	vld [tilespmem:s1+$0x8080];
	s1 =	sor.u32 $0x300, s3  }
0xb5: {  	v25 =	vld [tilespmem:s1+$0x80]  }
0xb6: {  	v28 =	vld [tilespmem:s1+$0x8080];
	s1 =	sor.u32 $0x380, s3  }
0xb7: {  	s30 =	sadd.s32 $0x30, s3;
	v22 =	vld [tilespmem:s1+$0x80]  }
0xb8: {  	v27 =	vld [tilespmem:s1+$0x8080];
	s1 =	sor.u32 $0x200, s30  }
0xb9: {  	v19 =	vld [tilespmem:s1+$0x80]  }
0xba: {  	v23 =	vld [tilespmem:s1+$0x8080];
	s1 =	sor.u32 $0x280, s30  }
0xbb: {  	v18 =	vld [tilespmem:s1+$0x80]  }
0xbc: {  	s5 =	sor.u32 $0x300, s30;
	v21 =	vld [tilespmem:s1+$0x8080]  }
0xbd: {  	s1 =	sadd.s32 $0x20, s3;
	v6 =	vld [tilespmem:s5+$0x80]  }
0xbe: {  	s6 =	sor.u32 $0x200, s1;
	v8 =	vld [tilespmem:s5+$0x8080]  }
0xbf: {  	v15 =	vmul.f32 v36, v35;
	v16 =	vmul.f32 v32, v17;
	v30 =	vld [tilespmem:s6+$0x80]  }
0xc0: {  	v13 =	vmul.f32 v12, v33;
	v12 =	vmul.f32 v34, v14;
	s5 =	sor.u32 $0x280, s1;
	v31 =	vld [tilespmem:s6+$0x8080]  }
0xc1: {  	v35 =	vmul.f32 v38, v37;
	v36 =	vmul.f32 v40, v39;
	v32 =	vld [tilespmem:s5+$0x80]  }
.Ltmp0:
0xc2: {  	v33 =	vmul.f32 v42, v41;
	v34 =	vmul.f32 v44, v43;
	v37 =	vld [tilespmem:s5+$0x8080];
	s5 =	sor.u32 $0x300, s1;
	(pc) =	sbr.rel @p1 .LBB2_2-.Ltmp0, $4  }
0xc3: {  	v42 =	vmul.f32 v46, v45;
	v43 =	vmul.f32 v48, v47;
	s3 =	sadd.s32 $0x10, s3;
	v14 =	vld [tilespmem:s5+$0x80]  }
0xc4: {  	v40 =	vmul.f32 v50, v49;
	v41 =	vmul.f32 v52, v51;
	s6 =	sor.u32 $0x200, s3;
	v17 =	vld [tilespmem:s5+$0x8080]  }
0xc5: {  	v46 =	vmul.f32 v54, v53;
	v47 =	vmul.f32 v56, v55;
	v38 =	vld [tilespmem:s6+$0x80]  }
0xc6: {  	s28 =	sadd.s32 $0x40, s28;
	v44 =	vmul.f32 v58, v57;
	v45 =	vmul.f32 v60, v59;
	s5 =	sor.u32 $0x280, s3;
	v39 =	vld [tilespmem:s6+$0x8080]  }
0xc7: {  	v20 =	vmul.f32 v24, v20  }
0xc8: {  	v24 =	vmul.f32 v29, v26;
	v26 =	vld [tilespmem:s5+$0x80];
	v7 =	vadd.f32 v46, v7;
	v9 =	vadd.f32 v47, v9  }
0xc9: {  	v25 =	vmul.f32 v28, v25;
	v28 =	vld [tilespmem:s5+$0x8080];
	s6 =	sor.u32 $0x300, s3;
	v10 =	vadd.f32 v44, v10;
	v11 =	vadd.f32 v45, v11  }
0xca: {  	v22 =	vmul.f32 v27, v22;
	v27 =	vld [tilespmem:s6+$0x80];
	v7 =	vadd.f32 v42, v7;
	v9 =	vadd.f32 v43, v9  }
0xcb: {  	s5 =	sor.u32 $0x380, s3;
	v19 =	vmul.f32 v23, v19;
	v29 =	vld [tilespmem:s6+$0x8080];
	v4 =	vadd.f32 v20, v4;
	v5 =	vadd.f32 v24, v5  }
0xcc: {  	v18 =	vmul.f32 v21, v18;
	v23 =	vld [tilespmem:s5+$0x80];
	v10 =	vadd.f32 v40, v10;
	v11 =	vadd.f32 v41, v11  }
0xcd: {  	v30 =	vmul.f32 v31, v30;
	s1 =	sor.u32 $0x380, s1;
	v21 =	vld [tilespmem:s5+$0x8080];
	v7 =	vadd.f32 v35, v7;
	v9 =	vadd.f32 v36, v9  }
0xce: {  	v31 =	vmul.f32 v37, v32;
	v56 =	vld [tilespmem:s1+$0x80];
	v10 =	vadd.f32 v33, v10;
	v11 =	vadd.f32 v34, v11  }
0xcf: {  	s6 =	sor.u32 $0x380, s30;
	v7 =	vadd.f32 v15, v7;
	v9 =	vadd.f32 v16, v9;
	v15 =	vmul.f32 v39, v38;
	v16 =	vld [tilespmem:s1+$0x8080]  }
0xd0: {  	v24 =	vld [tilespmem:s6+$0x8080];
	v3 =	vadd.f32 v25, v3;
	v10 =	vadd.f32 v13, v10;
	v13 =	vmul.f32 v28, v26  }
0xd1: {  	v20 =	vmul.f32 v29, v27;
	v11 =	vadd.f32 v12, v11;
	v12 =	vld [tilespmem:s6+$0x80];
	v4 =	vadd.f32 v15, v4  }
0xd2: {  	v2 =	vadd.f32 v22, v2;
	v15 =	vmul.f32 v21, v23;
	v5 =	vadd.f32 v13, v5  }
0xd3: {  	v3 =	vadd.f32 v20, v3;
	[tilespmem:$0x10080] =	vst v7;
	v13 =	vmul.f32 v17, v14;
	v4 =	vadd.f32 v30, v4  }
0xd4: {  	[tilespmem:$0x10100] =	vst v9;
	v2 =	vadd.f32 v15, v2;
	v7 =	vmul.f32 v16, v56;
	v5 =	vadd.f32 v31, v5  }
0xd5: {  	v6 =	vmul.f32 v8, v6;
	[tilespmem:$0x10180] =	vst v10;
	v3 =	vadd.f32 v13, v3;
	v4 =	vadd.f32 v19, v4  }
0xd6: {  	[tilespmem:$0x10200] =	vst v11;
	v2 =	vadd.f32 v7, v2;
	v7 =	vmul.f32 v24, v12;
	v5 =	vadd.f32 v18, v5  }
0xd7: {  	v3 =	vadd.f32 v6, v3;
	[tilespmem:$0x10280] =	vst v4  }
0xd8: {  	v2 =	vadd.f32 v7, v2;
	[tilespmem:$0x10300] =	vst v5  }
0xd9: {  	[tilespmem:$0x10380] =	vst v3  }
0xda: {  	s28 =	simm.s32 $0x0;
	[tilespmem:$0x10400] =	vst v2  }
0xdb: {  	[hbm4b:s22+s28] =	stream.linear.scatter [tilespmem:s0], [sflag:$0x3], $0x400, $0x38;
	[tilespmem:$0x10480] =	vst v63  }
0xdc: {  	_ =	swait.ge [sflag:s25], $0x400  }
0xdd: {  	[sflag:s25] =	ssyncset.done $0x0  }
0xde: {  	[sflag:s25] =	ssyncadd.s32 $0xFFFFFC00  }
0xdf: {  	_ =	swait.ge [sflag:s2], $0x4000  }
0xe0: {  	s3 =	sand.u32 $0x40, s28;
	s5 =	sand.u32 $0x3C00, s28;
	[sflag:s2] =	ssyncset.done $0x0  }
0xe1: {  	s1 =	sor.u32 s3, s5;
	[sflag:s2] =	ssyncadd.s32 $0xFFFFC000  }
0xe2: {  	v2 =	vld [tilespmem:s1+$0x40B0]  }
0xe3: {  	v3 =	vld [tilespmem:s1+$0xC0B0]  }
0xe4: {  	v4 =	vld [tilespmem:s1+$0x4130]  }
0xe5: {  	v5 =	vld [tilespmem:s1+$0xC130]  }
0xe6: {  	v7 =	vld [tilespmem:s1+$0x41B0]  }
0xe7: {  	v9 =	vld [tilespmem:s1+$0xC1B0]  }
0xe8: {  	v10 =	vld [tilespmem:s1+$0x4230]  }
0xe9: {  	v11 =	vld [tilespmem:s1+$0xC230]  }
0xea: {  	v14 =	vld [tilespmem:s1+$0x40A0]  }
0xeb: {  	v17 =	vld [tilespmem:s1+$0xC0A0]  }
0xec: {  	v31 =	vld [tilespmem:s1+$0x4120]  }
0xed: {  	v32 =	vld [tilespmem:s1+$0xC120]  }
0xee: {  	v33 =	vld [tilespmem:s1+$0x41A0]  }
0xef: {  	v34 =	vld [tilespmem:s1+$0xC1A0]  }
0xf0: {  	v37 =	vld [tilespmem:s1+$0x4220]  }
0xf1: {  	v38 =	vld [tilespmem:s1+$0xC220]  }
0xf2: {  	v39 =	vld [tilespmem:s1+$0x4090]  }
0xf3: {  	v57 =	vld [tilespmem:s1+$0xC090]  }
0xf4: {  	v58 =	vld [tilespmem:s1+$0x4110]  }
0xf5: {  	v59 =	vld [tilespmem:s1+$0xC110]  }
0xf6: {  	v60 =	vld [tilespmem:s1+$0x4190]  }
0xf7: {  	v61 =	vld [tilespmem:s1+$0xC190]  }
0xf8: {  	v62 =	vld [tilespmem:s1+$0x4210]  }
0xf9: {  	v63 =	vld [tilespmem:s1+$0xC210]  }
0xfa: {  	v48 =	vld [tilespmem:s1+$0x4080]  }
0xfb: {  	v49 =	vld [tilespmem:s1+$0xC080]  }
0xfc: {  	v50 =	vld [tilespmem:s1+$0x4100]  }
0xfd: {  	p0 =	por $0x0, $0x0;
	s3 =	simm.s32 $0x1;
	v51 =	vld [tilespmem:s1+$0xC100]  }
0xfe: {  	s3 =	simm.s32 @!p0 $0x0;
	v52 =	vld [tilespmem:s1+$0x4180]  }
0xff: {  	s3 =	sshll.u32 s3, $0x6;
	v53 =	vld [tilespmem:s1+$0xC180]  }
0x100: {  	s3 =	sadd.s32 $0x0, s3;
	v54 =	vld [tilespmem:s1+$0x4200]  }
0x101: {  	s6 =	sor.u32 $0x200, s3;
	v55 =	vld [tilespmem:s1+$0xC200]  }
0x102: {  	v20 =	vld [tilespmem:s6+$0x4080]  }
0x103: {  	s5 =	sor.u32 $0x280, s3;
	v24 =	vld [tilespmem:s6+$0xC080]  }
0x104: {  	v26 =	vld [tilespmem:s5+$0x4080]  }
0x105: {  	v29 =	vld [tilespmem:s5+$0xC080];
	s6 =	sor.u32 $0x300, s3  }
0x106: {  	v25 =	vld [tilespmem:s6+$0x4080]  }
0x107: {  	s5 =	sor.u32 $0x380, s3;
	v28 =	vld [tilespmem:s6+$0xC080]  }
0x108: {  	s30 =	sadd.s32 $0x30, s3;
	v22 =	vld [tilespmem:s5+$0x4080]  }
0x109: {  	v27 =	vld [tilespmem:s5+$0xC080];
	s6 =	sor.u32 $0x200, s30  }
0x10a: {  	v19 =	vld [tilespmem:s6+$0x4080]  }
0x10b: {  	s5 =	sor.u32 $0x280, s30;
	v23 =	vld [tilespmem:s6+$0xC080]  }
0x10c: {  	v18 =	vld [tilespmem:s5+$0x4080]  }
0x10d: {  	v21 =	vld [tilespmem:s5+$0xC080];
	s5 =	sor.u32 $0x300, s30  }
0x10e: {  	s1 =	sadd.s32 $0x20, s3;
	v6 =	vld [tilespmem:s5+$0x4080];
	v15 =	vmul.f32 v3, v2;
	v16 =	vmul.f32 v5, v4  }
0x10f: {  	s6 =	sor.u32 $0x200, s1;
	v8 =	vld [tilespmem:s5+$0xC080];
	v13 =	vmul.f32 v9, v7;
	v12 =	vmul.f32 v11, v10  }
0x110: {  	v30 =	vld [tilespmem:s6+$0x4080];
	v35 =	vmul.f32 v17, v14;
	v36 =	vmul.f32 v32, v31  }
0x111: {  	s5 =	sor.u32 $0x300, s1;
	v31 =	vld [tilespmem:s6+$0xC080];
	v33 =	vmul.f32 v34, v33;
	v34 =	vmul.f32 v38, v37  }
0x112: {  	v42 =	vmul.f32 v57, v39;
	v43 =	vmul.f32 v59, v58;
	v14 =	vld [tilespmem:s5+$0x4080]  }
0x113: {  	s6 =	sor.u32 $0x280, s1;
	v40 =	vmul.f32 v61, v60;
	v41 =	vmul.f32 v63, v62;
	v17 =	vld [tilespmem:s5+$0xC080]  }
0x114: {  	s3 =	sadd.s32 $0x10, s3;
	v7 =	vimm.f32 $0.0e+00;
	v46 =	vmul.f32 v49, v48;
	v47 =	vmul.f32 v51, v50;
	v32 =	vld [tilespmem:s6+$0x4080]  }
0x115: {  	v44 =	vmul.f32 v53, v52;
	v45 =	vmul.f32 v55, v54;
	v9 =	vimm.f32 $0.0e+00;
	v37 =	vld [tilespmem:s6+$0xC080];
	s6 =	sor.u32 $0x200, s3  }
0x116: {  	v10 =	vimm.f32 $0.0e+00;
	v11 =	vimm.f32 $0.0e+00;
	v4 =	vimm.f32 $0.0e+00;
	v38 =	vld [tilespmem:s6+$0x4080]  }
0x117: {  	s29 =	simm.s32 $0x40;
	s5 =	sor.u32 $0x280, s3;
	v5 =	vimm.f32 $0.0e+00;
	v3 =	vimm.f32 $0.0e+00;
	v2 =	vimm.f32 $0.0e+00;
	v39 =	vld [tilespmem:s6+$0xC080]  }
.LBB2_4:
0x118: {  	p1 =	sne.s32 s29, $0x7C0;
	v20 =	vmul.f32 v24, v20;
	v24 =	vmul.f32 v29, v26;
	v26 =	vld [tilespmem:s5+$0x4080]  }
0x119: {  	v7 =	vadd.f32 v46, v7;
	v9 =	vadd.f32 v47, v9;
	v25 =	vmul.f32 v28, v25;
	v28 =	vld [tilespmem:s5+$0xC080];
	s5 =	sor.u32 $0x300, s3  }
0x11a: {  	v22 =	vmul.f32 v27, v22;
	v10 =	vadd.f32 v44, v10;
	v11 =	vadd.f32 v45, v11;
	v27 =	vld [tilespmem:s5+$0x4080]  }
0x11b: {  	v19 =	vmul.f32 v23, v19;
	s3 =	sor.u32 $0x380, s3;
	v7 =	vadd.f32 v42, v7;
	v9 =	vadd.f32 v43, v9;
	v29 =	vld [tilespmem:s5+$0xC080]  }
0x11c: {  	v18 =	vmul.f32 v21, v18;
	v10 =	vadd.f32 v40, v10;
	v11 =	vadd.f32 v41, v11;
	v23 =	vld [tilespmem:s3+$0x4080]  }
0x11d: {  	v30 =	vmul.f32 v31, v30;
	s1 =	sor.u32 $0x380, s1;
	v7 =	vadd.f32 v35, v7;
	v9 =	vadd.f32 v36, v9;
	v21 =	vld [tilespmem:s3+$0xC080]  }
0x11e: {  	v31 =	vmul.f32 v37, v32;
	v10 =	vadd.f32 v33, v10;
	v11 =	vadd.f32 v34, v11;
	v32 =	vld [tilespmem:s1+$0x4080]  }
0x11f: {  	s28 =	sadd.s32 $0x200, s28;
	v33 =	vmul.f32 v39, v38;
	s3 =	sor.u32 $0x380, s30;
	v7 =	vadd.f32 v15, v7;
	v9 =	vadd.f32 v16, v9;
	v34 =	vld [tilespmem:s1+$0xC080]  }
0x120: {  	s5 =	sand.u32 $0x3C00, s28;
	v15 =	vmul.f32 v28, v26;
	s1 =	sand.u32 $0x40, s29;
	v10 =	vadd.f32 v13, v10;
	v11 =	vadd.f32 v12, v11;
	v12 =	vld [tilespmem:s3+$0x4080]  }
0x121: {  	v4 =	vadd.f32 v20, v4;
	v5 =	vadd.f32 v24, v5;
	s1 =	sor.u32 s1, s5;
	v13 =	vmul.f32 v29, v27;
	v16 =	vld [tilespmem:s3+$0xC080]  }
0x122: {  	v3 =	vadd.f32 v25, v3;
	v2 =	vadd.f32 v22, v2;
	v35 =	vld [tilespmem:s1+$0x40B0];
	v20 =	vmul.f32 v21, v23  }
0x123: {  	v14 =	vmul.f32 v17, v14;
	v4 =	vadd.f32 v33, v4;
	v5 =	vadd.f32 v15, v5;
	v36 =	vld [tilespmem:s1+$0xC0B0]  }
0x124: {  	v3 =	vadd.f32 v13, v3;
	v17 =	vld [tilespmem:s1+$0x4130];
	v2 =	vadd.f32 v20, v2;
	v13 =	vmul.f32 v34, v32  }
0x125: {  	v6 =	vmul.f32 v8, v6;
	v4 =	vadd.f32 v30, v4;
	v5 =	vadd.f32 v31, v5;
	v32 =	vld [tilespmem:s1+$0xC130]  }
0x126: {  	v3 =	vadd.f32 v14, v3;
	v33 =	vld [tilespmem:s1+$0x41B0];
	v2 =	vadd.f32 v13, v2;
	v8 =	vmul.f32 v16, v12  }
0x127: {  	v4 =	vadd.f32 v19, v4;
	v5 =	vadd.f32 v18, v5;
	v12 =	vld [tilespmem:s1+$0xC1B0]  }
0x128: {  	v3 =	vadd.f32 v6, v3;
	v14 =	vld [tilespmem:s1+$0x4230];
	v2 =	vadd.f32 v8, v2  }
0x129: {  	v34 =	vld [tilespmem:s1+$0xC230]  }
0x12a: {  	v37 =	vld [tilespmem:s1+$0x40A0]  }
0x12b: {  	v38 =	vld [tilespmem:s1+$0xC0A0]  }
0x12c: {  	v39 =	vld [tilespmem:s1+$0x4120]  }
0x12d: {  	v40 =	vld [tilespmem:s1+$0xC120]  }
0x12e: {  	v41 =	vld [tilespmem:s1+$0x41A0]  }
0x12f: {  	v42 =	vld [tilespmem:s1+$0xC1A0]  }
0x130: {  	v43 =	vld [tilespmem:s1+$0x4220]  }
0x131: {  	v44 =	vld [tilespmem:s1+$0xC220]  }
0x132: {  	v45 =	vld [tilespmem:s1+$0x4090]  }
0x133: {  	v46 =	vld [tilespmem:s1+$0xC090]  }
0x134: {  	v47 =	vld [tilespmem:s1+$0x4110]  }
0x135: {  	v48 =	vld [tilespmem:s1+$0xC110]  }
0x136: {  	v49 =	vld [tilespmem:s1+$0x4190]  }
0x137: {  	v50 =	vld [tilespmem:s1+$0xC190]  }
0x138: {  	v51 =	vld [tilespmem:s1+$0x4210]  }
0x139: {  	v52 =	vld [tilespmem:s1+$0xC210]  }
0x13a: {  	v53 =	vld [tilespmem:s1+$0x4080]  }
0x13b: {  	v54 =	vld [tilespmem:s1+$0xC080]  }
0x13c: {  	v55 =	vld [tilespmem:s1+$0x4100]  }
0x13d: {  	p0 =	por !p0, !p0;
	s3 =	simm.s32 $0x1;
	v56 =	vld [tilespmem:s1+$0xC100]  }
0x13e: {  	s3 =	simm.s32 @!p0 $0x0;
	v57 =	vld [tilespmem:s1+$0x4180]  }
0x13f: {  	s3 =	sshll.u32 s3, $0x6;
	v58 =	vld [tilespmem:s1+$0xC180]  }
0x140: {  	s3 =	sadd.s32 s3, s28;
	v59 =	vld [tilespmem:s1+$0x4200]  }
0x141: {  	v60 =	vld [tilespmem:s1+$0xC200];
	s1 =	sor.u32 $0x200, s3  }
0x142: {  	v20 =	vld [tilespmem:s1+$0x4080]  }
0x143: {  	v24 =	vld [tilespmem:s1+$0xC080];
	s1 =	sor.u32 $0x280, s3  }
0x144: {  	v26 =	vld [tilespmem:s1+$0x4080]  }
0x145: {  	v29 =	vld [tilespmem:s1+$0xC080];
	s1 =	sor.u32 $0x300, s3  }
0x146: {  	v25 =	vld [tilespmem:s1+$0x4080]  }
0x147: {  	v28 =	vld [tilespmem:s1+$0xC080];
	s1 =	sor.u32 $0x380, s3  }
0x148: {  	s30 =	sadd.s32 $0x30, s3;
	v22 =	vld [tilespmem:s1+$0x4080]  }
0x149: {  	v27 =	vld [tilespmem:s1+$0xC080];
	s1 =	sor.u32 $0x200, s30  }
0x14a: {  	v19 =	vld [tilespmem:s1+$0x4080]  }
0x14b: {  	v23 =	vld [tilespmem:s1+$0xC080];
	s1 =	sor.u32 $0x280, s30  }
0x14c: {  	v18 =	vld [tilespmem:s1+$0x4080]  }
0x14d: {  	s5 =	sor.u32 $0x300, s30;
	v21 =	vld [tilespmem:s1+$0xC080]  }
0x14e: {  	s1 =	sadd.s32 $0x20, s3;
	v6 =	vld [tilespmem:s5+$0x4080]  }
0x14f: {  	s6 =	sor.u32 $0x200, s1;
	v8 =	vld [tilespmem:s5+$0xC080]  }
0x150: {  	v15 =	vmul.f32 v36, v35;
	v16 =	vmul.f32 v32, v17;
	v30 =	vld [tilespmem:s6+$0x4080]  }
0x151: {  	v13 =	vmul.f32 v12, v33;
	v12 =	vmul.f32 v34, v14;
	s5 =	sor.u32 $0x280, s1;
	v31 =	vld [tilespmem:s6+$0xC080]  }
0x152: {  	v35 =	vmul.f32 v38, v37;
	v36 =	vmul.f32 v40, v39;
	v32 =	vld [tilespmem:s5+$0x4080]  }
.Ltmp1:
0x153: {  	v33 =	vmul.f32 v42, v41;
	v34 =	vmul.f32 v44, v43;
	v37 =	vld [tilespmem:s5+$0xC080];
	s5 =	sor.u32 $0x300, s1;
	(pc) =	sbr.rel @p1 .LBB2_4-.Ltmp1, $4  }
0x154: {  	v42 =	vmul.f32 v46, v45;
	v43 =	vmul.f32 v48, v47;
	s3 =	sadd.s32 $0x10, s3;
	v14 =	vld [tilespmem:s5+$0x4080]  }
0x155: {  	v40 =	vmul.f32 v50, v49;
	v41 =	vmul.f32 v52, v51;
	s6 =	sor.u32 $0x200, s3;
	v17 =	vld [tilespmem:s5+$0xC080]  }
0x156: {  	v46 =	vmul.f32 v54, v53;
	v47 =	vmul.f32 v56, v55;
	v38 =	vld [tilespmem:s6+$0x4080]  }
0x157: {  	s29 =	sadd.s32 $0x40, s29;
	v44 =	vmul.f32 v58, v57;
	v45 =	vmul.f32 v60, v59;
	s5 =	sor.u32 $0x280, s3;
	v39 =	vld [tilespmem:s6+$0xC080]  }
0x158: {  	v20 =	vmul.f32 v24, v20  }
0x159: {  	v62 =	vmul.f32 v29, v26;
	v63 =	vld [tilespmem:s5+$0x4080];
	v7 =	vadd.f32 v46, v7;
	v9 =	vadd.f32 v47, v9  }
0x15a: {  	v25 =	vmul.f32 v28, v25;
	v47 =	vld [tilespmem:s5+$0xC080];
	s28 =	sor.u32 $0x300, s3;
	v10 =	vadd.f32 v44, v10;
	v11 =	vadd.f32 v45, v11  }
0x15b: {  	v22 =	vmul.f32 v27, v22;
	v48 =	vld [tilespmem:s28+$0x4080];
	v7 =	vadd.f32 v42, v7;
	v9 =	vadd.f32 v43, v9  }
0x15c: {  	s29 =	sor.u32 $0x380, s3;
	v19 =	vmul.f32 v23, v19;
	v49 =	vld [tilespmem:s28+$0xC080];
	v4 =	vadd.f32 v20, v4;
	v5 =	vadd.f32 v62, v5  }
0x15d: {  	v18 =	vmul.f32 v21, v18;
	v50 =	vld [tilespmem:s29+$0x4080];
	v3 =	vadd.f32 v25, v3;
	v2 =	vadd.f32 v22, v2  }
0x15e: {  	v30 =	vmul.f32 v31, v30;
	s1 =	sor.u32 $0x380, s1;
	v51 =	vld [tilespmem:s29+$0xC080];
	v10 =	vadd.f32 v40, v10;
	v11 =	vadd.f32 v41, v11  }
0x15f: {  	v52 =	vmul.f32 v37, v32;
	v53 =	vld [tilespmem:s1+$0x4080];
	v7 =	vadd.f32 v35, v7;
	v9 =	vadd.f32 v36, v9  }
0x160: {  	s30 =	sor.u32 $0x380, s30;
	v55 =	vld [tilespmem:s1+$0xC080];
	v54 =	vmul.f32 v39, v38;
	v10 =	vadd.f32 v33, v10;
	v11 =	vadd.f32 v34, v11  }
0x161: {  	v57 =	vld [tilespmem:s30+$0x4080];
	v56 =	vmul.f32 v47, v63;
	v7 =	vadd.f32 v15, v7;
	v9 =	vadd.f32 v16, v9  }
0x162: {  	v59 =	vld [tilespmem:s30+$0xC080];
	v58 =	vmul.f32 v49, v48;
	v4 =	vadd.f32 v54, v4;
	v10 =	vadd.f32 v13, v10  }
0x163: {  	v60 =	vmul.f32 v51, v50;
	v11 =	vadd.f32 v12, v11;
	v5 =	vadd.f32 v56, v5  }
0x164: {  	v61 =	vmul.f32 v17, v14;
	v3 =	vadd.f32 v58, v3;
	v4 =	vadd.f32 v30, v4;
	[tilespmem:$0x10080] =	vst v7  }
0x165: {  	v62 =	vmul.f32 v55, v53;
	v2 =	vadd.f32 v60, v2;
	[tilespmem:$0x10100] =	vst v9;
	v5 =	vadd.f32 v52, v5  }
0x166: {  	v6 =	vmul.f32 v8, v6;
	[tilespmem:$0x10180] =	vst v10;
	v3 =	vadd.f32 v61, v3;
	v4 =	vadd.f32 v19, v4  }
0x167: {  	v63 =	vmul.f32 v59, v57;
	[tilespmem:$0x10200] =	vst v11;
	v2 =	vadd.f32 v62, v2;
	v5 =	vadd.f32 v18, v5  }
0x168: {  	v3 =	vadd.f32 v6, v3;
	[tilespmem:$0x10280] =	vst v4  }
0x169: {  	s26 =	sadd.s32 $0x1, s26;
	v2 =	vadd.f32 v63, v2;
	[tilespmem:$0x10300] =	vst v5  }
0x16a: {  	p0 =	sne.s32 s26, s24;
	[tilespmem:$0x10380] =	vst v3  }
.Ltmp2:
0x16b: {  	[tilespmem:$0x10400] =	vst v2;
	(pc) =	sbr.rel @p0 .LBB2_1-.Ltmp2, $4  }
0x16c: {  	[hbm4b:s23+s4] =	stream.linear.scatter [tilespmem:s0], [sflag:$0x3], $0x400, $0x38;
	[tilespmem:$0x10480] =	vst v63  }
0x16d: {  	_ =	swait.ge [sflag:s25], $0x400  }
0x16e: {  	[sflag:s25] =	ssyncset.done $0x0  }
0x16f: {  	[sflag:s25] =	ssyncadd.s32 $0xFFFFFC00  }
0x170: {  	_ =	sfence.sel $0x180000  }
0x171: {  	[bflag:$0x0] =	sbarrier.arrive $0xFFFF  }
0x172: {  	_ =	strace $0x90000047  }
0x173: {  	s0 =	stileid.u32;
	[bflag:$0x2] =	sbarrier.arrive $0xFFFF  }
0x174: {  	p0 =	sne.s32 s0, $0x0;
	s0 =	rddreg [dreg:$0x5]  }
0x175: {  	s0 =	sadd.s32 @!p0 $0x100000, s0  }
0x176: {  	[sflag:s0] =	ssyncadd.tile.s32 @!p0 $0x1;
	_ =	shalt  }
.Lfunc_end2:
_tile_overlayer_lowered:
.L_overlay_start_2:
0x177: {  	(tag) =	ssettag $0x2  }
0x178: {  	s0 =	rddreg [dreg:$0x0];
	s2 =	stileid.u32  }
0x179: {  	s1 =	rddreg [dreg:$0x1];
	p0 =	sne.s32 s2, $0x0  }
0x17a: {  	s3 =	rddreg [dreg:$0x2];
	[bflag:$0x3] =	sbarrier.arrive $0xFFFF;
	s2 =	simm.s32 @!p0 $0x1C03  }
0x17b: {  	[timem:s3], [sflag:s2] =	dma.local @!p0 [hbm:s0], s1  }
0x17c: {  	s0 =	simm.s32 @!p0 $0x3  }
0x17d: {  	_ =	swait.ge @!p0 [sflag:s0], s1  }
0x17e: {  	s1 =	ssub.s32 @!p0 $0x0, s1;
	[sflag:s0] =	ssyncset.done @!p0 $0x0  }
0x17f: {  	[sflag:s0] =	ssyncadd.s32 @!p0 s1  }
0x180: {  	[bflag:$0x3] =	sbarrier.arrive $0xFFFF  }
0x181: {  	_ =	shalt  }

</sc_bundles>
